<compile_context>
chip_gen: v7x
topology: tpu7x:2x2x1
jax: 0.10.2.dev20260603
libtpu: 0.0.44.dev20260713+nightly
codegen_flags: <defaults>
</compile_context>

<pallas_src>
import functools

import jax
import jax.numpy as jnp
from jax import lax
from jax.experimental import pallas as pl
from jax.experimental.pallas import tpu as pltpu
from jax.experimental.pallas import tpu_sc as plsc

S = 4096
B = 128
K = 136
NCH = S // 128
W = 1024
WCH = W // 128
SCALE_R = 64.0
SCALE_C = 128.0
MATCH = 128.0 * SCALE_R * SCALE_C
NEG = -3e9


def _match_body(x_hbm, out_ref, sgn_r_ref, sgn_c_ref, x_vmem, dma_sem):
    pltpu.make_async_copy(x_hbm, x_vmem, dma_sem).start()
    pltpu.make_async_copy(x_hbm, x_vmem, dma_sem).wait()
    m = x_vmem[...] > 0.5
    lane = lax.broadcasted_iota(jnp.int32, (S, K - B), 1)
    pos = lax.broadcasted_iota(jnp.int32, (S, K - B), 0)
    sr = jnp.where(m, SCALE_R, -SCALE_R)
    sc = jnp.where(m, SCALE_C, -SCALE_C)
    ext_r = jnp.where(lane < 2, -1.0, 0.0)
    ext_c = jnp.where(lane == 0, (pos >> 7).astype(jnp.float32) * 128.0,
                      jnp.where(lane == 1,
                                (pos & 127).astype(jnp.float32), 0.0))
    sgn_r_ref[...] = jnp.concatenate([sr, ext_r], axis=1).astype(jnp.bfloat16)
    sgn_c_ref[...] = jnp.concatenate([sc, ext_c], axis=1).astype(jnp.bfloat16)

    tri = lax.broadcasted_iota(jnp.int32, (128, 128), 1) <= \
        lax.broadcasted_iota(jnp.int32, (128, 128), 0)
    carry = [None] * NCH
    for p in range(S // W):
        row0 = W * p
        brp = sgn_r_ref[pl.ds(row0, S - row0), :]
        bcp = sgn_c_ref[pl.ds(row0, W), :]
        d = lax.dot_general(brp, bcp, (((1,), (1,)), ((), ())),
                            preferred_element_type=jnp.float32)
        c0 = WCH * p
        for k in range(WCH):
            r = 128 * k
            v = jnp.where(tri, d[r:r + 128, r:r + 128], NEG)
            for g in range(k):
                v = jnp.maximum(v, d[r:r + 128, 128 * g:128 * g + 128])
            carry[c0 + k] = (v if carry[c0 + k] is None
                             else jnp.maximum(carry[c0 + k], v))
        for mm in range(c0 + WCH, NCH):
            r = 128 * (mm - c0)
            dm = d[r:r + 128, :]
            v = dm[:, 0:128]
            for g in range(1, WCH):
                v = jnp.maximum(v, dm[:, 128 * g:128 * g + 128])
            carry[mm] = (v if carry[mm] is None
                         else jnp.maximum(carry[mm], v))

    for mm in range(NCH):
        score = jnp.max(carry[mm], axis=1)
        out_ref[0, 0, pl.ds(mm * 128, 128)] = (MATCH - score).astype(jnp.int32)


def _best_indices(x, interpret=False):
    out = pl.pallas_call(
        _match_body,
        grid=(1,),
        in_specs=[pl.BlockSpec(memory_space=pl.ANY)],
        out_specs=pl.BlockSpec((1, 1, S), lambda i: (0, 0, 0)),
        out_shape=jax.ShapeDtypeStruct((1, 1, S), jnp.int32),
        scratch_shapes=[
            pltpu.VMEM((S, K), jnp.bfloat16),
            pltpu.VMEM((S, K), jnp.bfloat16),
            pltpu.VMEM((S, B), jnp.float32),
            pltpu.SemaphoreType.DMA,
        ],
        interpret=interpret,
    )(x)
    return out.reshape(S)


_NW = 32
_BPW = S // _NW


def _sc_gather(x, idx):
    mesh = plsc.VectorSubcoreMesh(core_axis_name="c", subcore_axis_name="s")

    @functools.partial(
        pl.kernel,
        out_type=jax.ShapeDtypeStruct((S, B), jnp.float32),
        mesh=mesh,
        scratch_types=[
            pltpu.VMEM((_BPW,), jnp.int32),
            pltpu.VMEM((_BPW, B), jnp.float32),
            pltpu.SemaphoreType.DMA,
        ],
    )
    def k(table_hbm, idx_hbm, out_hbm, idx_v, rows_v, sem):
        wid = lax.axis_index("s") * 2 + lax.axis_index("c")
        base = wid * _BPW
        pltpu.sync_copy(idx_hbm.at[pl.ds(base, _BPW)], idx_v)
        pltpu.async_copy(table_hbm.at[idx_v], rows_v, sem).wait()
        pltpu.sync_copy(rows_v, out_hbm.at[pl.ds(base, _BPW)])

    return k(x, idx)


def kernel(x):
    best = _best_indices(x)
    return _sc_gather(x, best)

# --- scband reference (transcript-rebuilt; emitter-appended) ---
"""Pipeline reference for scband-soft-ramattention-30202210025958 (READ-ONLY COPY).

The authoritative reference and input builder live on the scoring server;
editing this copy changes nothing except your own understanding.
"""

import jax, jax.numpy as jnp
import numpy as np

NUM_HEADS = 8
SEQ_LEN = 4096
INPUT_BITS = 128


def setup_inputs(seed: int = 0) -> dict:
    key = jax.random.key(seed)
    x = jax.random.uniform(key, (SEQ_LEN, INPUT_BITS), dtype=jnp.float32)
    return {"x": x}


def reference(x):
    # SoftRAMAttention with content_match=XOR_EQUAL, attention_combine=CONTENT_ONLY,
    # position_mode=NONE, causal=True, aggregation=TOP_1.
    # Tokens are bit-vectors; binarize the float input at 0.5 to get the bit view.
    S, B = x.shape
    bits = (x > 0.5).astype(jnp.float32)
    # Pairwise Hamming distance via matmul: ham(i,j) = |xi| + |xj| - 2 xi.xj (binary vectors)
    pop = jnp.sum(bits, axis=1)
    dot = bits @ bits.T
    ham = pop[:, None] + pop[None, :] - 2.0 * dot  # [S, S]
    # XOR_EQUAL content match: attend iff bit patterns identical (hamming == 0)
    match = (ham == 0.0)
    causal = jnp.tril(jnp.ones((S, S), dtype=bool))
    attend = match & causal
    # Every head casts the same content-only vote -> votes in {0, NUM_HEADS}
    votes = attend.astype(jnp.float32) * NUM_HEADS
    # TOP_1 aggregation: pick the highest-voted causal position (earliest on ties);
    # diagonal always matches itself so argmax is well-defined.
    scores = jnp.where(causal, votes, -jnp.inf)
    best = jnp.argmax(scores, axis=1)  # [S]
    out = jnp.take(x, best, axis=0)    # gather the attended value tokens [S, B]
    return out

if __name__ == "__main__":
    import jax
    _d = setup_inputs()
    print(jax.jit(kernel)(*tuple(_d.values())))

</pallas_src>

<mosaic_0001>
#map = affine_map<(d0, d1) -> (0, 0)>
#map1 = affine_map<(d0, d1) -> (0)>
module attributes {stable_mosaic.version = 14 : i64} {
  func.func @k(%arg0: i32, %arg1: i32, %arg2: memref<4096x128xf32, #tpu.memory_space<hbm>>, %arg3: memref<4096xi32, #tpu.memory_space<hbm>>, %arg4: memref<4096x128xf32, #tpu.memory_space<hbm>>, %arg5: memref<128xi32, #tpu.memory_space<vmem>>, %arg6: memref<128x128xf32, #tpu.memory_space<vmem>>, %arg7: memref<!tpu.dma_semaphore, #tpu.memory_space<semaphore_mem>>) attributes {dimension_semantics = [#tpu.dimension_semantics<core_parallel>, #tpu.dimension_semantics<subcore_parallel>], iteration_bounds = array<i64: 2, 16>, scalar_prefetch = 0 : i64, scratch_operands = 3 : i64, tpu.core_type = #tpu.core_type<sc_vector_subcore>, window_params = [{transform_indices = #map}, {transform_indices = #map1}, {transform_indices = #map}]} {
    %mul3A = arith.constant 2 : i32
    %mul3A_0 = arith.muli %arg1, %mul3A : i32
    %add3A = arith.addi %mul3A_0, %arg0 : i32
    %mul3A_1 = arith.constant 128 : i32
    %mul3A_2 = arith.muli %add3A, %mul3A_1 : i32
    "tpu.region"() ({
      %run_scoped3A = tpu.sem_alloc : memref<!tpu.dma_semaphore, #tpu.memory_space<semaphore_mem>>
      %dma_start3A_7 = tpu.memref_slice %arg3[%mul3A_2] : memref<4096xi32, #tpu.memory_space<hbm>> -> memref<128xi32, #tpu.memory_space<hbm>>
      %dma_start3A_8 = tpu.memref_slice %arg3[%mul3A_2] : memref<4096xi32, #tpu.memory_space<hbm>> -> memref<128xi32, #tpu.memory_space<hbm>>
      tpu.enqueue_dma source(%dma_start3A_8 : memref<128xi32, #tpu.memory_space<hbm>>) target(%arg5 : memref<128xi32, #tpu.memory_space<vmem>>) target_semaphore(%run_scoped3A : memref<!tpu.dma_semaphore, #tpu.memory_space<semaphore_mem>>)
      %dma_wait3A_9 = tpu.memref_slice %arg3[%mul3A_2] : memref<4096xi32, #tpu.memory_space<hbm>> -> memref<128xi32, #tpu.memory_space<hbm>>
      %dma_wait3A_10 = tpu.memref_slice %arg3[%mul3A_2] : memref<4096xi32, #tpu.memory_space<hbm>> -> memref<128xi32, #tpu.memory_space<hbm>>
      tpu.wait_dma2 semaphore(%run_scoped3A : memref<!tpu.dma_semaphore, #tpu.memory_space<semaphore_mem>>) src(%dma_wait3A_10 : memref<128xi32, #tpu.memory_space<hbm>>) dst(%arg5 : memref<128xi32, #tpu.memory_space<vmem>>)
      tpu.yield
    }) : () -> ()
    %dma_start3A = arith.constant 0 : i32
    %dma_start3A_3 = arith.constant 0 : i32
    %dma_start3A_4 = tpu.memref_slice %arg2[%dma_start3A, %dma_start3A_3] : memref<4096x128xf32, #tpu.memory_space<hbm>> -> memref<4096x128xf32, #tpu.memory_space<hbm>>
    tpu.enqueue_indirect_dma source(%dma_start3A_4 : memref<4096x128xf32, #tpu.memory_space<hbm>>) target(%arg6 : memref<128x128xf32, #tpu.memory_space<vmem>>) offsets(%arg5 : memref<128xi32, #tpu.memory_space<vmem>>) semaphore(%arg7 : memref<!tpu.dma_semaphore, #tpu.memory_space<semaphore_mem>>)
    %dma_wait3A = arith.constant 0 : i32
    %dma_wait3A_5 = arith.constant 0 : i32
    %dma_wait3A_6 = tpu.memref_slice %arg2[%dma_wait3A, %dma_wait3A_5] : memref<4096x128xf32, #tpu.memory_space<hbm>> -> memref<4096x128xf32, #tpu.memory_space<hbm>>
    tpu.wait_indirect_dma semaphore(%arg7 : memref<!tpu.dma_semaphore, #tpu.memory_space<semaphore_mem>>) src(%dma_wait3A_6 : memref<4096x128xf32, #tpu.memory_space<hbm>>) dst(%arg6 : memref<128x128xf32, #tpu.memory_space<vmem>>)
    "tpu.region"() ({
      %run_scoped3A = tpu.sem_alloc : memref<!tpu.dma_semaphore, #tpu.memory_space<semaphore_mem>>
      %dma_start3A_7 = arith.constant 0 : i32
      %dma_start3A_8 = tpu.memref_slice %arg4[%mul3A_2, %dma_start3A_7] : memref<4096x128xf32, #tpu.memory_space<hbm>> -> memref<128x128xf32, #tpu.memory_space<hbm>>
      %dma_start3A_9 = arith.constant 0 : i32
      %dma_start3A_10 = tpu.memref_slice %arg4[%mul3A_2, %dma_start3A_9] : memref<4096x128xf32, #tpu.memory_space<hbm>> -> memref<128x128xf32, #tpu.memory_space<hbm>>
      tpu.enqueue_dma source(%arg6 : memref<128x128xf32, #tpu.memory_space<vmem>>) target(%dma_start3A_10 : memref<128x128xf32, #tpu.memory_space<hbm>>) target_semaphore(%run_scoped3A : memref<!tpu.dma_semaphore, #tpu.memory_space<semaphore_mem>>)
      %dma_wait3A_11 = arith.constant 0 : i32
      %dma_wait3A_12 = tpu.memref_slice %arg4[%mul3A_2, %dma_wait3A_11] : memref<4096x128xf32, #tpu.memory_space<hbm>> -> memref<128x128xf32, #tpu.memory_space<hbm>>
      %dma_wait3A_13 = arith.constant 0 : i32
      %dma_wait3A_14 = tpu.memref_slice %arg4[%mul3A_2, %dma_wait3A_13] : memref<4096x128xf32, #tpu.memory_space<hbm>> -> memref<128x128xf32, #tpu.memory_space<hbm>>
      tpu.wait_dma2 semaphore(%run_scoped3A : memref<!tpu.dma_semaphore, #tpu.memory_space<semaphore_mem>>) src(%arg6 : memref<128x128xf32, #tpu.memory_space<vmem>>) dst(%dma_wait3A_14 : memref<128x128xf32, #tpu.memory_space<hbm>>)
      tpu.yield
    }) : () -> ()
    return
  }
}

module attributes {stable_mosaic.version = 14 : i64} {
  func.func @_match_body(%arg0: i32, %arg1: memref<4096x128xf32, #tpu.memory_space<any>>, %arg2: memref<1x1x4096xi32, #tpu.memory_space<vmem>>, %arg3: memref<4096x136xbf16, #tpu.memory_space<vmem>>, %arg4: memref<4096x136xbf16, #tpu.memory_space<vmem>>, %arg5: memref<4096x128xf32, #tpu.memory_space<vmem>>, %arg6: memref<!tpu.dma_semaphore, #tpu.memory_space<semaphore_mem>>) attributes {dimension_semantics = [#tpu.dimension_semantics<arbitrary>], iteration_bounds = array<i64: 1>, scalar_prefetch = 0 : i64, scratch_operands = 4 : i64, tpu.core_type = #tpu.core_type<tc>, window_params = [{}, {pipeline_mode = #tpu.pipeline_mode<synchronous>, transform_indices = @transform_1, window_bounds = array<i64: 1, 1, 4096>}]} {
    tpu.enqueue_dma source(%arg1 : memref<4096x128xf32, #tpu.memory_space<any>>) target(%arg5 : memref<4096x128xf32, #tpu.memory_space<vmem>>) target_semaphore(%arg6 : memref<!tpu.dma_semaphore, #tpu.memory_space<semaphore_mem>>)
    tpu.wait_dma2 semaphore(%arg6 : memref<!tpu.dma_semaphore, #tpu.memory_space<semaphore_mem>>) src(%arg1 : memref<4096x128xf32, #tpu.memory_space<any>>) dst(%arg5 : memref<4096x128xf32, #tpu.memory_space<vmem>>)
    %get3A = arith.constant 0 : index
    %get3A_0 = arith.constant 0 : index
    %get3A_1 = vector.load %arg5[%get3A, %get3A_0] : memref<4096x128xf32, #tpu.memory_space<vmem>>, vector<4096x128xf32>
    %gt3A = arith.constant 5.000000e-01 : f32
    %gt3A_2 = vector.broadcast %gt3A : f32 to vector<4096x128xf32>
    %gt3A_3 = arith.cmpf ogt, %get3A_1, %gt3A_2 : vector<4096x128xf32>
    %iota3A = tpu.iota {dimensions = array<i32: 1>} : vector<4096x8xi32>
    %iota3A_4 = tpu.iota {dimensions = array<i32: 0>} : vector<4096x8xi32>
    %jit3A = arith.constant 6.400000e+01 : f32
    %jit3A_5 = arith.constant -6.400000e+01 : f32
    %broadcast_in_dim3A = vector.broadcast %jit3A : f32 to vector<4096x128xf32>
    %broadcast_in_dim3A_6 = vector.broadcast %jit3A_5 : f32 to vector<4096x128xf32>
    %select_n3A = arith.select %gt3A_3, %broadcast_in_dim3A, %broadcast_in_dim3A_6 : vector<4096x128xi1>, vector<4096x128xf32>
    %jit3A_7 = arith.constant 1.280000e+02 : f32
    %jit3A_8 = arith.constant -1.280000e+02 : f32
    %broadcast_in_dim3A_9 = vector.broadcast %jit3A_7 : f32 to vector<4096x128xf32>
    %broadcast_in_dim3A_10 = vector.broadcast %jit3A_8 : f32 to vector<4096x128xf32>
    %select_n3A_11 = arith.select %gt3A_3, %broadcast_in_dim3A_9, %broadcast_in_dim3A_10 : vector<4096x128xi1>, vector<4096x128xf32>
    %lt3A = arith.constant 2 : i32
    %lt3A_12 = vector.broadcast %lt3A : i32 to vector<4096x8xi32>
    %lt3A_13 = arith.cmpi slt, %iota3A, %lt3A_12 : vector<4096x8xi32>
    %jit3A_14 = arith.constant -1.000000e+00 : f32
    %jit3A_15 = arith.constant 0.000000e+00 : f32
    %broadcast_in_dim3A_16 = vector.broadcast %jit3A_14 : f32 to vector<4096x8xf32>
    %broadcast_in_dim3A_17 = vector.broadcast %jit3A_15 : f32 to vector<4096x8xf32>
    %select_n3A_18 = arith.select %lt3A_13, %broadcast_in_dim3A_16, %broadcast_in_dim3A_17 : vector<4096x8xi1>, vector<4096x8xf32>
    %eq3A = arith.constant 0 : i32
    %eq3A_19 = vector.broadcast %eq3A : i32 to vector<4096x8xi32>
    %eq3A_20 = arith.cmpi eq, %iota3A, %eq3A_19 : vector<4096x8xi32>
    %shift_right_arithmetic3A = arith.constant 7 : i32
    %shift_right_arithmetic3A_21 = vector.broadcast %shift_right_arithmetic3A : i32 to vector<4096x8xi32>
    %shift_right_arithmetic3A_22 = arith.shrsi %iota3A_4, %shift_right_arithmetic3A_21 : vector<4096x8xi32>
    %convert_element_type3A = arith.sitofp %shift_right_arithmetic3A_22 : vector<4096x8xi32> to vector<4096x8xf32>
    %mul3A = arith.constant 1.280000e+02 : f32
    %mul3A_23 = vector.broadcast %mul3A : f32 to vector<4096x8xf32>
    %mul3A_24 = arith.mulf %convert_element_type3A, %mul3A_23 : vector<4096x8xf32>
    %eq3A_25 = arith.constant 1 : i32
    %eq3A_26 = vector.broadcast %eq3A_25 : i32 to vector<4096x8xi32>
    %eq3A_27 = arith.cmpi eq, %iota3A, %eq3A_26 : vector<4096x8xi32>
    %and3A = arith.constant 127 : i32
    %and3A_28 = vector.broadcast %and3A : i32 to vector<4096x8xi32>
    %and3A_29 = arith.andi %iota3A_4, %and3A_28 : vector<4096x8xi32>
    %convert_element_type3A_30 = arith.sitofp %and3A_29 : vector<4096x8xi32> to vector<4096x8xf32>
    %jit3A_31 = arith.constant 0.000000e+00 : f32
    %broadcast_in_dim3A_32 = vector.broadcast %jit3A_31 : f32 to vector<4096x8xf32>
    %select_n3A_33 = arith.select %eq3A_27, %convert_element_type3A_30, %broadcast_in_dim3A_32 : vector<4096x8xi1>, vector<4096x8xf32>
    %select_n3A_34 = arith.select %eq3A_20, %mul3A_24, %select_n3A_33 : vector<4096x8xi1>, vector<4096x8xf32>
    %concatenate3A = tpu.concatenate %select_n3A, %select_n3A_18 in 1 : vector<4096x128xf32>, vector<4096x8xf32> -> vector<4096x136xf32>
    %convert_element_type3A_35 = arith.truncf %concatenate3A : vector<4096x136xf32> to vector<4096x136xbf16>
    %swap3A = arith.constant 0 : index
    %swap3A_36 = arith.constant 0 : index
    %swap3A_37 = vector.load %arg3[%swap3A, %swap3A_36] : memref<4096x136xbf16, #tpu.memory_space<vmem>>, vector<4096x136xbf16>
    tpu.vector_store %arg3[%swap3A, %swap3A_36], %convert_element_type3A_35 {strides = array<i32>} : memref<4096x136xbf16, #tpu.memory_space<vmem>>, vector<4096x136xbf16>,
    %concatenate3A_38 = tpu.concatenate %select_n3A_11, %select_n3A_34 in 1 : vector<4096x128xf32>, vector<4096x8xf32> -> vector<4096x136xf32>
    %convert_element_type3A_39 = arith.truncf %concatenate3A_38 : vector<4096x136xf32> to vector<4096x136xbf16>
    %swap3A_40 = arith.constant 0 : index
    %swap3A_41 = arith.constant 0 : index
    %swap3A_42 = vector.load %arg4[%swap3A_40, %swap3A_41] : memref<4096x136xbf16, #tpu.memory_space<vmem>>, vector<4096x136xbf16>
    tpu.vector_store %arg4[%swap3A_40, %swap3A_41], %convert_element_type3A_39 {strides = array<i32>} : memref<4096x136xbf16, #tpu.memory_space<vmem>>, vector<4096x136xbf16>,
    %iota3A_43 = tpu.iota {dimensions = array<i32: 1>} : vector<128x128xi32>
    %iota3A_44 = tpu.iota {dimensions = array<i32: 0>} : vector<128x128xi32>
    %le3A = arith.cmpi sle, %iota3A_43, %iota3A_44 : vector<128x128xi32>
    %get3A_45 = arith.constant 0 : index
    %get3A_46 = arith.constant 0 : index
    %get3A_47 = vector.load %arg3[%get3A_45, %get3A_46] : memref<4096x136xbf16, #tpu.memory_space<vmem>>, vector<4096x136xbf16>
    %get3A_48 = arith.constant 0 : index
    %get3A_49 = arith.constant 0 : index
    %get3A_50 = vector.load %arg4[%get3A_48, %get3A_49] : memref<4096x136xbf16, #tpu.memory_space<vmem>>, vector<1024x136xbf16>
    %dot_general3A = arith.constant dense<0.000000e+00> : vector<4096x1024xf32>
    %dot_general3A_51 = tpu.matmul %get3A_47, %get3A_50, %dot_general3A {dimension_numbers = #tpu.dot_dimension_numbers<[1], [1], [0], [0], [0, 0, 1, 0], [], []>, transpose_lhs_hint = false} : vector<4096x136xbf16>, vector<1024x136xbf16>, vector<4096x1024xf32> -> vector<4096x1024xf32>
    %slice3A = vector.extract_strided_slice %dot_general3A_51 {offsets = [0, 0], sizes = [128, 128], strides = [1, 1]} : vector<4096x1024xf32> to vector<128x128xf32>
    %jit3A_52 = arith.constant -3.000000e+09 : f32
    %broadcast_in_dim3A_53 = vector.broadcast %jit3A_52 : f32 to vector<128x128xf32>
    %select_n3A_54 = arith.select %le3A, %slice3A, %broadcast_in_dim3A_53 : vector<128x128xi1>, vector<128x128xf32>
    %slice3A_55 = vector.extract_strided_slice %dot_general3A_51 {offsets = [128, 128], sizes = [128, 128], strides = [1, 1]} : vector<4096x1024xf32> to vector<128x128xf32>
    %jit3A_56 = arith.constant -3.000000e+09 : f32
    %broadcast_in_dim3A_57 = vector.broadcast %jit3A_56 : f32 to vector<128x128xf32>
    %select_n3A_58 = arith.select %le3A, %slice3A_55, %broadcast_in_dim3A_57 : vector<128x128xi1>, vector<128x128xf32>
    %slice3A_59 = vector.extract_strided_slice %dot_general3A_51 {offsets = [128, 0], sizes = [128, 128], strides = [1, 1]} : vector<4096x1024xf32> to vector<128x128xf32>
    %max3A = arith.maximumf %select_n3A_58, %slice3A_59 : vector<128x128xf32>
    %slice3A_60 = vector.extract_strided_slice %dot_general3A_51 {offsets = [256, 256], sizes = [128, 128], strides = [1, 1]} : vector<4096x1024xf32> to vector<128x128xf32>
    %jit3A_61 = arith.constant -3.000000e+09 : f32
    %broadcast_in_dim3A_62 = vector.broadcast %jit3A_61 : f32 to vector<128x128xf32>
    %select_n3A_63 = arith.select %le3A, %slice3A_60, %broadcast_in_dim3A_62 : vector<128x128xi1>, vector<128x128xf32>
    %slice3A_64 = vector.extract_strided_slice %dot_general3A_51 {offsets = [256, 0], sizes = [128, 128], strides = [1, 1]} : vector<4096x1024xf32> to vector<128x128xf32>
    %max3A_65 = arith.maximumf %select_n3A_63, %slice3A_64 : vector<128x128xf32>
    %slice3A_66 = vector.extract_strided_slice %dot_general3A_51 {offsets = [256, 128], sizes = [128, 128], strides = [1, 1]} : vector<4096x1024xf32> to vector<128x128xf32>
    %max3A_67 = arith.maximumf %max3A_65, %slice3A_66 : vector<128x128xf32>
    %slice3A_68 = vector.extract_strided_slice %dot_general3A_51 {offsets = [384, 384], sizes = [128, 128], strides = [1, 1]} : vector<4096x1024xf32> to vector<128x128xf32>
    %jit3A_69 = arith.constant -3.000000e+09 : f32
    %broadcast_in_dim3A_70 = vector.broadcast %jit3A_69 : f32 to vector<128x128xf32>
    %select_n3A_71 = arith.select %le3A, %slice3A_68, %broadcast_in_dim3A_70 : vector<128x128xi1>, vector<128x128xf32>
    %slice3A_72 = vector.extract_strided_slice %dot_general3A_51 {offsets = [384, 0], sizes = [128, 128], strides = [1, 1]} : vector<4096x1024xf32> to vector<128x128xf32>
    %max3A_73 = arith.maximumf %select_n3A_71, %slice3A_72 : vector<128x128xf32>
    %slice3A_74 = vector.extract_strided_slice %dot_general3A_51 {offsets = [384, 128], sizes = [128, 128], strides = [1, 1]} : vector<4096x1024xf32> to vector<128x128xf32>
    %max3A_75 = arith.maximumf %max3A_73, %slice3A_74 : vector<128x128xf32>
    %slice3A_76 = vector.extract_strided_slice %dot_general3A_51 {offsets = [384, 256], sizes = [128, 128], strides = [1, 1]} : vector<4096x1024xf32> to vector<128x128xf32>
    %max3A_77 = arith.maximumf %max3A_75, %slice3A_76 : vector<128x128xf32>
    %slice3A_78 = vector.extract_strided_slice %dot_general3A_51 {offsets = [512, 512], sizes = [128, 128], strides = [1, 1]} : vector<4096x1024xf32> to vector<128x128xf32>
    %jit3A_79 = arith.constant -3.000000e+09 : f32
    %broadcast_in_dim3A_80 = vector.broadcast %jit3A_79 : f32 to vector<128x128xf32>
    %select_n3A_81 = arith.select %le3A, %slice3A_78, %broadcast_in_dim3A_80 : vector<128x128xi1>, vector<128x128xf32>
    %slice3A_82 = vector.extract_strided_slice %dot_general3A_51 {offsets = [512, 0], sizes = [128, 128], strides = [1, 1]} : vector<4096x1024xf32> to vector<128x128xf32>
    %max3A_83 = arith.maximumf %select_n3A_81, %slice3A_82 : vector<128x128xf32>
    %slice3A_84 = vector.extract_strided_slice %dot_general3A_51 {offsets = [512, 128], sizes = [128, 128], strides = [1, 1]} : vector<4096x1024xf32> to vector<128x128xf32>
    %max3A_85 = arith.maximumf %max3A_83, %slice3A_84 : vector<128x128xf32>
    %slice3A_86 = vector.extract_strided_slice %dot_general3A_51 {offsets = [512, 256], sizes = [128, 128], strides = [1, 1]} : vector<4096x1024xf32> to vector<128x128xf32>
    %max3A_87 = arith.maximumf %max3A_85, %slice3A_86 : vector<128x128xf32>
    %slice3A_88 = vector.extract_strided_slice %dot_general3A_51 {offsets = [512, 384], sizes = [128, 128], strides = [1, 1]} : vector<4096x1024xf32> to vector<128x128xf32>
    %max3A_89 = arith.maximumf %max3A_87, %slice3A_88 : vector<128x128xf32>
    %slice3A_90 = vector.extract_strided_slice %dot_general3A_51 {offsets = [640, 640], sizes = [128, 128], strides = [1, 1]} : vector<4096x1024xf32> to vector<128x128xf32>
    %jit3A_91 = arith.constant -3.000000e+09 : f32
    %broadcast_in_dim3A_92 = vector.broadcast %jit3A_91 : f32 to vector<128x128xf32>
    %select_n3A_93 = arith.select %le3A, %slice3A_90, %broadcast_in_dim3A_92 : vector<128x128xi1>, vector<128x128xf32>
    %slice3A_94 = vector.extract_strided_slice %dot_general3A_51 {offsets = [640, 0], sizes = [128, 128], strides = [1, 1]} : vector<4096x1024xf32> to vector<128x128xf32>
    %max3A_95 = arith.maximumf %select_n3A_93, %slice3A_94 : vector<128x128xf32>
    %slice3A_96 = vector.extract_strided_slice %dot_general3A_51 {offsets = [640, 128], sizes = [128, 128], strides = [1, 1]} : vector<4096x1024xf32> to vector<128x128xf32>
    %max3A_97 = arith.maximumf %max3A_95, %slice3A_96 : vector<128x128xf32>
    %slice3A_98 = vector.extract_strided_slice %dot_general3A_51 {offsets = [640, 256], sizes = [128, 128], strides = [1, 1]} : vector<4096x1024xf32> to vector<128x128xf32>
    %max3A_99 = arith.maximumf %max3A_97, %slice3A_98 : vector<128x128xf32>
    %slice3A_100 = vector.extract_strided_slice %dot_general3A_51 {offsets = [640, 384], sizes = [128, 128], strides = [1, 1]} : vector<4096x1024xf32> to vector<128x128xf32>
    %max3A_101 = arith.maximumf %max3A_99, %slice3A_100 : vector<128x128xf32>
    %slice3A_102 = vector.extract_strided_slice %dot_general3A_51 {offsets = [640, 512], sizes = [128, 128], strides = [1, 1]} : vector<4096x1024xf32> to vector<128x128xf32>
    %max3A_103 = arith.maximumf %max3A_101, %slice3A_102 : vector<128x128xf32>
    %slice3A_104 = vector.extract_strided_slice %dot_general3A_51 {offsets = [768, 768], sizes = [128, 128], strides = [1, 1]} : vector<4096x1024xf32> to vector<128x128xf32>
    %jit3A_105 = arith.constant -3.000000e+09 : f32
    %broadcast_in_dim3A_106 = vector.broadcast %jit3A_105 : f32 to vector<128x128xf32>
    %select_n3A_107 = arith.select %le3A, %slice3A_104, %broadcast_in_dim3A_106 : vector<128x128xi1>, vector<128x128xf32>
    %slice3A_108 = vector.extract_strided_slice %dot_general3A_51 {offsets = [768, 0], sizes = [128, 128], strides = [1, 1]} : vector<4096x1024xf32> to vector<128x128xf32>
    %max3A_109 = arith.maximumf %select_n3A_107, %slice3A_108 : vector<128x128xf32>
    %slice3A_110 = vector.extract_strided_slice %dot_general3A_51 {offsets = [768, 128], sizes = [128, 128], strides = [1, 1]} : vector<4096x1024xf32> to vector<128x128xf32>
    %max3A_111 = arith.maximumf %max3A_109, %slice3A_110 : vector<128x128xf32>
    %slice3A_112 = vector.extract_strided_slice %dot_general3A_51 {offsets = [768, 256], sizes = [128, 128], strides = [1, 1]} : vector<4096x1024xf32> to vector<128x128xf32>
    %max3A_113 = arith.maximumf %max3A_111, %slice3A_112 : vector<128x128xf32>
    %slice3A_114 = vector.extract_strided_slice %dot_general3A_51 {offsets = [768, 384], sizes = [128, 128], strides = [1, 1]} : vector<4096x1024xf32> to vector<128x128xf32>
    %max3A_115 = arith.maximumf %max3A_113, %slice3A_114 : vector<128x128xf32>
    %slice3A_116 = vector.extract_strided_slice %dot_general3A_51 {offsets = [768, 512], sizes = [128, 128], strides = [1, 1]} : vector<4096x1024xf32> to vector<128x128xf32>
    %max3A_117 = arith.maximumf %max3A_115, %slice3A_116 : vector<128x128xf32>
    %slice3A_118 = vector.extract_strided_slice %dot_general3A_51 {offsets = [768, 640], sizes = [128, 128], strides = [1, 1]} : vector<4096x1024xf32> to vector<128x128xf32>
    %max3A_119 = arith.maximumf %max3A_117, %slice3A_118 : vector<128x128xf32>
    %slice3A_120 = vector.extract_strided_slice %dot_general3A_51 {offsets = [896, 896], sizes = [128, 128], strides = [1, 1]} : vector<4096x1024xf32> to vector<128x128xf32>
    %jit3A_121 = arith.constant -3.000000e+09 : f32
    %broadcast_in_dim3A_122 = vector.broadcast %jit3A_121 : f32 to vector<128x128xf32>
    %select_n3A_123 = arith.select %le3A, %slice3A_120, %broadcast_in_dim3A_122 : vector<128x128xi1>, vector<128x128xf32>
    %slice3A_124 = vector.extract_strided_slice %dot_general3A_51 {offsets = [896, 0], sizes = [128, 128], strides = [1, 1]} : vector<4096x1024xf32> to vector<128x128xf32>
    %max3A_125 = arith.maximumf %select_n3A_123, %slice3A_124 : vector<128x128xf32>
    %slice3A_126 = vector.extract_strided_slice %dot_general3A_51 {offsets = [896, 128], sizes = [128, 128], strides = [1, 1]} : vector<4096x1024xf32> to vector<128x128xf32>
    %max3A_127 = arith.maximumf %max3A_125, %slice3A_126 : vector<128x128xf32>
    %slice3A_128 = vector.extract_strided_slice %dot_general3A_51 {offsets = [896, 256], sizes = [128, 128], strides = [1, 1]} : vector<4096x1024xf32> to vector<128x128xf32>
    %max3A_129 = arith.maximumf %max3A_127, %slice3A_128 : vector<128x128xf32>
    %slice3A_130 = vector.extract_strided_slice %dot_general3A_51 {offsets = [896, 384], sizes = [128, 128], strides = [1, 1]} : vector<4096x1024xf32> to vector<128x128xf32>
    %max3A_131 = arith.maximumf %max3A_129, %slice3A_130 : vector<128x128xf32>
    %slice3A_132 = vector.extract_strided_slice %dot_general3A_51 {offsets = [896, 512], sizes = [128, 128], strides = [1, 1]} : vector<4096x1024xf32> to vector<128x128xf32>
    %max3A_133 = arith.maximumf %max3A_131, %slice3A_132 : vector<128x128xf32>
    %slice3A_134 = vector.extract_strided_slice %dot_general3A_51 {offsets = [896, 640], sizes = [128, 128], strides = [1, 1]} : vector<4096x1024xf32> to vector<128x128xf32>
    %max3A_135 = arith.maximumf %max3A_133, %slice3A_134 : vector<128x128xf32>
    %slice3A_136 = vector.extract_strided_slice %dot_general3A_51 {offsets = [896, 768], sizes = [128, 128], strides = [1, 1]} : vector<4096x1024xf32> to vector<128x128xf32>
    %max3A_137 = arith.maximumf %max3A_135, %slice3A_136 : vector<128x128xf32>
    %slice3A_138 = vector.extract_strided_slice %dot_general3A_51 {offsets = [1024, 0], sizes = [128, 1024], strides = [1, 1]} : vector<4096x1024xf32> to vector<128x1024xf32>
    %slice3A_139 = vector.extract_strided_slice %slice3A_138 {offsets = [0, 0], sizes = [128, 128], strides = [1, 1]} : vector<128x1024xf32> to vector<128x128xf32>
    %slice3A_140 = vector.extract_strided_slice %slice3A_138 {offsets = [0, 128], sizes = [128, 128], strides = [1, 1]} : vector<128x1024xf32> to vector<128x128xf32>
    %max3A_141 = arith.maximumf %slice3A_139, %slice3A_140 : vector<128x128xf32>
    %slice3A_142 = vector.extract_strided_slice %slice3A_138 {offsets = [0, 256], sizes = [128, 128], strides = [1, 1]} : vector<128x1024xf32> to vector<128x128xf32>
    %max3A_143 = arith.maximumf %max3A_141, %slice3A_142 : vector<128x128xf32>
    %slice3A_144 = vector.extract_strided_slice %slice3A_138 {offsets = [0, 384], sizes = [128, 128], strides = [1, 1]} : vector<128x1024xf32> to vector<128x128xf32>
    %max3A_145 = arith.maximumf %max3A_143, %slice3A_144 : vector<128x128xf32>
    %slice3A_146 = vector.extract_strided_slice %slice3A_138 {offsets = [0, 512], sizes = [128, 128], strides = [1, 1]} : vector<128x1024xf32> to vector<128x128xf32>
    %max3A_147 = arith.maximumf %max3A_145, %slice3A_146 : vector<128x128xf32>
    %slice3A_148 = vector.extract_strided_slice %slice3A_138 {offsets = [0, 640], sizes = [128, 128], strides = [1, 1]} : vector<128x1024xf32> to vector<128x128xf32>
    %max3A_149 = arith.maximumf %max3A_147, %slice3A_148 : vector<128x128xf32>
    %slice3A_150 = vector.extract_strided_slice %slice3A_138 {offsets = [0, 768], sizes = [128, 128], strides = [1, 1]} : vector<128x1024xf32> to vector<128x128xf32>
    %max3A_151 = arith.maximumf %max3A_149, %slice3A_150 : vector<128x128xf32>
    %slice3A_152 = vector.extract_strided_slice %slice3A_138 {offsets = [0, 896], sizes = [128, 128], strides = [1, 1]} : vector<128x1024xf32> to vector<128x128xf32>
    %max3A_153 = arith.maximumf %max3A_151, %slice3A_152 : vector<128x128xf32>
    %slice3A_154 = vector.extract_strided_slice %dot_general3A_51 {offsets = [1152, 0], sizes = [128, 1024], strides = [1, 1]} : vector<4096x1024xf32> to vector<128x1024xf32>
    %slice3A_155 = vector.extract_strided_slice %slice3A_154 {offsets = [0, 0], sizes = [128, 128], strides = [1, 1]} : vector<128x1024xf32> to vector<128x128xf32>
    %slice3A_156 = vector.extract_strided_slice %slice3A_154 {offsets = [0, 128], sizes = [128, 128], strides = [1, 1]} : vector<128x1024xf32> to vector<128x128xf32>
    %max3A_157 = arith.maximumf %slice3A_155, %slice3A_156 : vector<128x128xf32>
    %slice3A_158 = vector.extract_strided_slice %slice3A_154 {offsets = [0, 256], sizes = [128, 128], strides = [1, 1]} : vector<128x1024xf32> to vector<128x128xf32>
    %max3A_159 = arith.maximumf %max3A_157, %slice3A_158 : vector<128x128xf32>
    %slice3A_160 = vector.extract_strided_slice %slice3A_154 {offsets = [0, 384], sizes = [128, 128], strides = [1, 1]} : vector<128x1024xf32> to vector<128x128xf32>
    %max3A_161 = arith.maximumf %max3A_159, %slice3A_160 : vector<128x128xf32>
    %slice3A_162 = vector.extract_strided_slice %slice3A_154 {offsets = [0, 512], sizes = [128, 128], strides = [1, 1]} : vector<128x1024xf32> to vector<128x128xf32>
    %max3A_163 = arith.maximumf %max3A_161, %slice3A_162 : vector<128x128xf32>
    %slice3A_164 = vector.extract_strided_slice %slice3A_154 {offsets = [0, 640], sizes = [128, 128], strides = [1, 1]} : vector<128x1024xf32> to vector<128x128xf32>
    %max3A_165 = arith.maximumf %max3A_163, %slice3A_164 : vector<128x128xf32>
    %slice3A_166 = vector.extract_strided_slice %slice3A_154 {offsets = [0, 768], sizes = [128, 128], strides = [1, 1]} : vector<128x1024xf32> to vector<128x128xf32>
    %max3A_167 = arith.maximumf %max3A_165, %slice3A_166 : vector<128x128xf32>
    %slice3A_168 = vector.extract_strided_slice %slice3A_154 {offsets = [0, 896], sizes = [128, 128], strides = [1, 1]} : vector<128x1024xf32> to vector<128x128xf32>
    %max3A_169 = arith.maximumf %max3A_167, %slice3A_168 : vector<128x128xf32>
    %slice3A_170 = vector.extract_strided_slice %dot_general3A_51 {offsets = [1280, 0], sizes = [128, 1024], strides = [1, 1]} : vector<4096x1024xf32> to vector<128x1024xf32>
    %slice3A_171 = vector.extract_strided_slice %slice3A_170 {offsets = [0, 0], sizes = [128, 128], strides = [1, 1]} : vector<128x1024xf32> to vector<128x128xf32>
    %slice3A_172 = vector.extract_strided_slice %slice3A_170 {offsets = [0, 128], sizes = [128, 128], strides = [1, 1]} : vector<128x1024xf32> to vector<128x128xf32>
    %max3A_173 = arith.maximumf %slice3A_171, %slice3A_172 : vector<128x128xf32>
    %slice3A_174 = vector.extract_strided_slice %slice3A_170 {offsets = [0, 256], sizes = [128, 128], strides = [1, 1]} : vector<128x1024xf32> to vector<128x128xf32>
    %max3A_175 = arith.maximumf %max3A_173, %slice3A_174 : vector<128x128xf32>
    %slice3A_176 = vector.extract_strided_slice %slice3A_170 {offsets = [0, 384], sizes = [128, 128], strides = [1, 1]} : vector<128x1024xf32> to vector<128x128xf32>
    %max3A_177 = arith.maximumf %max3A_175, %slice3A_176 : vector<128x128xf32>
    %slice3A_178 = vector.extract_strided_slice %slice3A_170 {offsets = [0, 512], sizes = [128, 128], strides = [1, 1]} : vector<128x1024xf32> to vector<128x128xf32>
    %max3A_179 = arith.maximumf %max3A_177, %slice3A_178 : vector<128x128xf32>
    %slice3A_180 = vector.extract_strided_slice %slice3A_170 {offsets = [0, 640], sizes = [128, 128], strides = [1, 1]} : vector<128x1024xf32> to vector<128x128xf32>
    %max3A_181 = arith.maximumf %max3A_179, %slice3A_180 : vector<128x128xf32>
    %slice3A_182 = vector.extract_strided_slice %slice3A_170 {offsets = [0, 768], sizes = [128, 128], strides = [1, 1]} : vector<128x1024xf32> to vector<128x128xf32>
    %max3A_183 = arith.maximumf %max3A_181, %slice3A_182 : vector<128x128xf32>
    %slice3A_184 = vector.extract_strided_slice %slice3A_170 {offsets = [0, 896], sizes = [128, 128], strides = [1, 1]} : vector<128x1024xf32> to vector<128x128xf32>
    %max3A_185 = arith.maximumf %max3A_183, %slice3A_184 : vector<128x128xf32>
    %slice3A_186 = vector.extract_strided_slice %dot_general3A_51 {offsets = [1408, 0], sizes = [128, 1024], strides = [1, 1]} : vector<4096x1024xf32> to vector<128x1024xf32>
    %slice3A_187 = vector.extract_strided_slice %slice3A_186 {offsets = [0, 0], sizes = [128, 128], strides = [1, 1]} : vector<128x1024xf32> to vector<128x128xf32>
    %slice3A_188 = vector.extract_strided_slice %slice3A_186 {offsets = [0, 128], sizes = [128, 128], strides = [1, 1]} : vector<128x1024xf32> to vector<128x128xf32>
    %max3A_189 = arith.maximumf %slice3A_187, %slice3A_188 : vector<128x128xf32>
    %slice3A_190 = vector.extract_strided_slice %slice3A_186 {offsets = [0, 256], sizes = [128, 128], strides = [1, 1]} : vector<128x1024xf32> to vector<128x128xf32>
    %max3A_191 = arith.maximumf %max3A_189, %slice3A_190 : vector<128x128xf32>
    %slice3A_192 = vector.extract_strided_slice %slice3A_186 {offsets = [0, 384], sizes = [128, 128], strides = [1, 1]} : vector<128x1024xf32> to vector<128x128xf32>
    %max3A_193 = arith.maximumf %max3A_191, %slice3A_192 : vector<128x128xf32>
    %slice3A_194 = vector.extract_strided_slice %slice3A_186 {offsets = [0, 512], sizes = [128, 128], strides = [1, 1]} : vector<128x1024xf32> to vector<128x128xf32>
    %max3A_195 = arith.maximumf %max3A_193, %slice3A_194 : vector<128x128xf32>
    %slice3A_196 = vector.extract_strided_slice %slice3A_186 {offsets = [0, 640], sizes = [128, 128], strides = [1, 1]} : vector<128x1024xf32> to vector<128x128xf32>
    %max3A_197 = arith.maximumf %max3A_195, %slice3A_196 : vector<128x128xf32>
    %slice3A_198 = vector.extract_strided_slice %slice3A_186 {offsets = [0, 768], sizes = [128, 128], strides = [1, 1]} : vector<128x1024xf32> to vector<128x128xf32>
    %max3A_199 = arith.maximumf %max3A_197, %slice3A_198 : vector<128x128xf32>
    %slice3A_200 = vector.extract_strided_slice %slice3A_186 {offsets = [0, 896], sizes = [128, 128], strides = [1, 1]} : vector<128x1024xf32> to vector<128x128xf32>
    %max3A_201 = arith.maximumf %max3A_199, %slice3A_200 : vector<128x128xf32>
    %slice3A_202 = vector.extract_strided_slice %dot_general3A_51 {offsets = [1536, 0], sizes = [128, 1024], strides = [1, 1]} : vector<4096x1024xf32> to vector<128x1024xf32>
    %slice3A_203 = vector.extract_strided_slice %slice3A_202 {offsets = [0, 0], sizes = [128, 128], strides = [1, 1]} : vector<128x1024xf32> to vector<128x128xf32>
    %slice3A_204 = vector.extract_strided_slice %slice3A_202 {offsets = [0, 128], sizes = [128, 128], strides = [1, 1]} : vector<128x1024xf32> to vector<128x128xf32>
    %max3A_205 = arith.maximumf %slice3A_203, %slice3A_204 : vector<128x128xf32>
    %slice3A_206 = vector.extract_strided_slice %slice3A_202 {offsets = [0, 256], sizes = [128, 128], strides = [1, 1]} : vector<128x1024xf32> to vector<128x128xf32>
    %max3A_207 = arith.maximumf %max3A_205, %slice3A_206 : vector<128x128xf32>
    %slice3A_208 = vector.extract_strided_slice %slice3A_202 {offsets = [0, 384], sizes = [128, 128], strides = [1, 1]} : vector<128x1024xf32> to vector<128x128xf32>
    %max3A_209 = arith.maximumf %max3A_207, %slice3A_208 : vector<128x128xf32>
    %slice3A_210 = vector.extract_strided_slice %slice3A_202 {offsets = [0, 512], sizes = [128, 128], strides = [1, 1]} : vector<128x1024xf32> to vector<128x128xf32>
    %max3A_211 = arith.maximumf %max3A_209, %slice3A_210 : vector<128x128xf32>
    %slice3A_212 = vector.extract_strided_slice %slice3A_202 {offsets = [0, 640], sizes = [128, 128], strides = [1, 1]} : vector<128x1024xf32> to vector<128x128xf32>
    %max3A_213 = arith.maximumf %max3A_211, %slice3A_212 : vector<128x128xf32>
    %slice3A_214 = vector.extract_strided_slice %slice3A_202 {offsets = [0, 768], sizes = [128, 128], strides = [1, 1]} : vector<128x1024xf32> to vector<128x128xf32>
    %max3A_215 = arith.maximumf %max3A_213, %slice3A_214 : vector<128x128xf32>
    %slice3A_216 = vector.extract_strided_slice %slice3A_202 {offsets = [0, 896], sizes = [128, 128], strides = [1, 1]} : vector<128x1024xf32> to vector<128x128xf32>
    %max3A_217 = arith.maximumf %max3A_215, %slice3A_216 : vector<128x128xf32>
    %slice3A_218 = vector.extract_strided_slice %dot_general3A_51 {offsets = [1664, 0], sizes = [128, 1024], strides = [1, 1]} : vector<4096x1024xf32> to vector<128x1024xf32>
    %slice3A_219 = vector.extract_strided_slice %slice3A_218 {offsets = [0, 0], sizes = [128, 128], strides = [1, 1]} : vector<128x1024xf32> to vector<128x128xf32>
    %slice3A_220 = vector.extract_strided_slice %slice3A_218 {offsets = [0, 128], sizes = [128, 128], strides = [1, 1]} : vector<128x1024xf32> to vector<128x128xf32>
    %max3A_221 = arith.maximumf %slice3A_219, %slice3A_220 : vector<128x128xf32>
    %slice3A_222 = vector.extract_strided_slice %slice3A_218 {offsets = [0, 256], sizes = [128, 128], strides = [1, 1]} : vector<128x1024xf32> to vector<128x128xf32>
    %max3A_223 = arith.maximumf %max3A_221, %slice3A_222 : vector<128x128xf32>
    %slice3A_224 = vector.extract_strided_slice %slice3A_218 {offsets = [0, 384], sizes = [128, 128], strides = [1, 1]} : vector<128x1024xf32> to vector<128x128xf32>
    %max3A_225 = arith.maximumf %max3A_223, %slice3A_224 : vector<128x128xf32>
    %slice3A_226 = vector.extract_strided_slice %slice3A_218 {offsets = [0, 512], sizes = [128, 128], strides = [1, 1]} : vector<128x1024xf32> to vector<128x128xf32>
    %max3A_227 = arith.maximumf %max3A_225, %slice3A_226 : vector<128x128xf32>
    %slice3A_228 = vector.extract_strided_slice %slice3A_218 {offsets = [0, 640], sizes = [128, 128], strides = [1, 1]} : vector<128x1024xf32> to vector<128x128xf32>
    %max3A_229 = arith.maximumf %max3A_227, %slice3A_228 : vector<128x128xf32>
    %slice3A_230 = vector.extract_strided_slice %slice3A_218 {offsets = [0, 768], sizes = [128, 128], strides = [1, 1]} : vector<128x1024xf32> to vector<128x128xf32>
    %max3A_231 = arith.maximumf %max3A_229, %slice3A_230 : vector<128x128xf32>
    %slice3A_232 = vector.extract_strided_slice %slice3A_218 {offsets = [0, 896], sizes = [128, 128], strides = [1, 1]} : vector<128x1024xf32> to vector<128x128xf32>
    %max3A_233 = arith.maximumf %max3A_231, %slice3A_232 : vector<128x128xf32>
    %slice3A_234 = vector.extract_strided_slice %dot_general3A_51 {offsets = [1792, 0], sizes = [128, 1024], strides = [1, 1]} : vector<4096x1024xf32> to vector<128x1024xf32>
    %slice3A_235 = vector.extract_strided_slice %slice3A_234 {offsets = [0, 0], sizes = [128, 128], strides = [1, 1]} : vector<128x1024xf32> to vector<128x128xf32>
    %slice3A_236 = vector.extract_strided_slice %slice3A_234 {offsets = [0, 128], sizes = [128, 128], strides = [1, 1]} : vector<128x1024xf32> to vector<128x128xf32>
    %max3A_237 = arith.maximumf %slice3A_235, %slice3A_236 : vector<128x128xf32>
    %slice3A_238 = vector.extract_strided_slice %slice3A_234 {offsets = [0, 256], sizes = [128, 128], strides = [1, 1]} : vector<128x1024xf32> to vector<128x128xf32>
    %max3A_239 = arith.maximumf %max3A_237, %slice3A_238 : vector<128x128xf32>
    %slice3A_240 = vector.extract_strided_slice %slice3A_234 {offsets = [0, 384], sizes = [128, 128], strides = [1, 1]} : vector<128x1024xf32> to vector<128x128xf32>
    %max3A_241 = arith.maximumf %max3A_239, %slice3A_240 : vector<128x128xf32>
    %slice3A_242 = vector.extract_strided_slice %slice3A_234 {offsets = [0, 512], sizes = [128, 128], strides = [1, 1]} : vector<128x1024xf32> to vector<128x128xf32>
    %max3A_243 = arith.maximumf %max3A_241, %slice3A_242 : vector<128x128xf32>
    %slice3A_244 = vector.extract_strided_slice %slice3A_234 {offsets = [0, 640], sizes = [128, 128], strides = [1, 1]} : vector<128x1024xf32> to vector<128x128xf32>
    %max3A_245 = arith.maximumf %max3A_243, %slice3A_244 : vector<128x128xf32>
    %slice3A_246 = vector.extract_strided_slice %slice3A_234 {offsets = [0, 768], sizes = [128, 128], strides = [1, 1]} : vector<128x1024xf32> to vector<128x128xf32>
    %max3A_247 = arith.maximumf %max3A_245, %slice3A_246 : vector<128x128xf32>
    %slice3A_248 = vector.extract_strided_slice %slice3A_234 {offsets = [0, 896], sizes = [128, 128], strides = [1, 1]} : vector<128x1024xf32> to vector<128x128xf32>
    %max3A_249 = arith.maximumf %max3A_247, %slice3A_248 : vector<128x128xf32>
    %slice3A_250 = vector.extract_strided_slice %dot_general3A_51 {offsets = [1920, 0], sizes = [128, 1024], strides = [1, 1]} : vector<4096x1024xf32> to vector<128x1024xf32>
    %slice3A_251 = vector.extract_strided_slice %slice3A_250 {offsets = [0, 0], sizes = [128, 128], strides = [1, 1]} : vector<128x1024xf32> to vector<128x128xf32>
    %slice3A_252 = vector.extract_strided_slice %slice3A_250 {offsets = [0, 128], sizes = [128, 128], strides = [1, 1]} : vector<128x1024xf32> to vector<128x128xf32>
    %max3A_253 = arith.maximumf %slice3A_251, %slice3A_252 : vector<128x128xf32>
    %slice3A_254 = vector.extract_strided_slice %slice3A_250 {offsets = [0, 256], sizes = [128, 128], strides = [1, 1]} : vector<128x1024xf32> to vector<128x128xf32>
    %max3A_255 = arith.maximumf %max3A_253, %slice3A_254 : vector<128x128xf32>
    %slice3A_256 = vector.extract_strided_slice %slice3A_250 {offsets = [0, 384], sizes = [128, 128], strides = [1, 1]} : vector<128x1024xf32> to vector<128x128xf32>
    %max3A_257 = arith.maximumf %max3A_255, %slice3A_256 : vector<128x128xf32>
    %slice3A_258 = vector.extract_strided_slice %slice3A_250 {offsets = [0, 512], sizes = [128, 128], strides = [1, 1]} : vector<128x1024xf32> to vector<128x128xf32>
    %max3A_259 = arith.maximumf %max3A_257, %slice3A_258 : vector<128x128xf32>
    %slice3A_260 = vector.extract_strided_slice %slice3A_250 {offsets = [0, 640], sizes = [128, 128], strides = [1, 1]} : vector<128x1024xf32> to vector<128x128xf32>
    %max3A_261 = arith.maximumf %max3A_259, %slice3A_260 : vector<128x128xf32>
    %slice3A_262 = vector.extract_strided_slice %slice3A_250 {offsets = [0, 768], sizes = [128, 128], strides = [1, 1]} : vector<128x1024xf32> to vector<128x128xf32>
    %max3A_263 = arith.maximumf %max3A_261, %slice3A_262 : vector<128x128xf32>
    %slice3A_264 = vector.extract_strided_slice %slice3A_250 {offsets = [0, 896], sizes = [128, 128], strides = [1, 1]} : vector<128x1024xf32> to vector<128x128xf32>
    %max3A_265 = arith.maximumf %max3A_263, %slice3A_264 : vector<128x128xf32>
    %slice3A_266 = vector.extract_strided_slice %dot_general3A_51 {offsets = [2048, 0], sizes = [128, 1024], strides = [1, 1]} : vector<4096x1024xf32> to vector<128x1024xf32>
    %slice3A_267 = vector.extract_strided_slice %slice3A_266 {offsets = [0, 0], sizes = [128, 128], strides = [1, 1]} : vector<128x1024xf32> to vector<128x128xf32>
    %slice3A_268 = vector.extract_strided_slice %slice3A_266 {offsets = [0, 128], sizes = [128, 128], strides = [1, 1]} : vector<128x1024xf32> to vector<128x128xf32>
    %max3A_269 = arith.maximumf %slice3A_267, %slice3A_268 : vector<128x128xf32>
    %slice3A_270 = vector.extract_strided_slice %slice3A_266 {offsets = [0, 256], sizes = [128, 128], strides = [1, 1]} : vector<128x1024xf32> to vector<128x128xf32>
    %max3A_271 = arith.maximumf %max3A_269, %slice3A_270 : vector<128x128xf32>
    %slice3A_272 = vector.extract_strided_slice %slice3A_266 {offsets = [0, 384], sizes = [128, 128], strides = [1, 1]} : vector<128x1024xf32> to vector<128x128xf32>
    %max3A_273 = arith.maximumf %max3A_271, %slice3A_272 : vector<128x128xf32>
    %slice3A_274 = vector.extract_strided_slice %slice3A_266 {offsets = [0, 512], sizes = [128, 128], strides = [1, 1]} : vector<128x1024xf32> to vector<128x128xf32>
    %max3A_275 = arith.maximumf %max3A_273, %slice3A_274 : vector<128x128xf32>
    %slice3A_276 = vector.extract_strided_slice %slice3A_266 {offsets = [0, 640], sizes = [128, 128], strides = [1, 1]} : vector<128x1024xf32> to vector<128x128xf32>
    %max3A_277 = arith.maximumf %max3A_275, %slice3A_276 : vector<128x128xf32>
    %slice3A_278 = vector.extract_strided_slice %slice3A_266 {offsets = [0, 768], sizes = [128, 128], strides = [1, 1]} : vector<128x1024xf32> to vector<128x128xf32>
    %max3A_279 = arith.maximumf %max3A_277, %slice3A_278 : vector<128x128xf32>
    %slice3A_280 = vector.extract_strided_slice %slice3A_266 {offsets = [0, 896], sizes = [128, 128], strides = [1, 1]} : vector<128x1024xf32> to vector<128x128xf32>
    %max3A_281 = arith.maximumf %max3A_279, %slice3A_280 : vector<128x128xf32>
    %slice3A_282 = vector.extract_strided_slice %dot_general3A_51 {offsets = [2176, 0], sizes = [128, 1024], strides = [1, 1]} : vector<4096x1024xf32> to vector<128x1024xf32>
    %slice3A_283 = vector.extract_strided_slice %slice3A_282 {offsets = [0, 0], sizes = [128, 128], strides = [1, 1]} : vector<128x1024xf32> to vector<128x128xf32>
    %slice3A_284 = vector.extract_strided_slice %slice3A_282 {offsets = [0, 128], sizes = [128, 128], strides = [1, 1]} : vector<128x1024xf32> to vector<128x128xf32>
    %max3A_285 = arith.maximumf %slice3A_283, %slice3A_284 : vector<128x128xf32>
    %slice3A_286 = vector.extract_strided_slice %slice3A_282 {offsets = [0, 256], sizes = [128, 128], strides = [1, 1]} : vector<128x1024xf32> to vector<128x128xf32>
    %max3A_287 = arith.maximumf %max3A_285, %slice3A_286 : vector<128x128xf32>
    %slice3A_288 = vector.extract_strided_slice %slice3A_282 {offsets = [0, 384], sizes = [128, 128], strides = [1, 1]} : vector<128x1024xf32> to vector<128x128xf32>
    %max3A_289 = arith.maximumf %max3A_287, %slice3A_288 : vector<128x128xf32>
    %slice3A_290 = vector.extract_strided_slice %slice3A_282 {offsets = [0, 512], sizes = [128, 128], strides = [1, 1]} : vector<128x1024xf32> to vector<128x128xf32>
    %max3A_291 = arith.maximumf %max3A_289, %slice3A_290 : vector<128x128xf32>
    %slice3A_292 = vector.extract_strided_slice %slice3A_282 {offsets = [0, 640], sizes = [128, 128], strides = [1, 1]} : vector<128x1024xf32> to vector<128x128xf32>
    %max3A_293 = arith.maximumf %max3A_291, %slice3A_292 : vector<128x128xf32>
    %slice3A_294 = vector.extract_strided_slice %slice3A_282 {offsets = [0, 768], sizes = [128, 128], strides = [1, 1]} : vector<128x1024xf32> to vector<128x128xf32>
    %max3A_295 = arith.maximumf %max3A_293, %slice3A_294 : vector<128x128xf32>
    %slice3A_296 = vector.extract_strided_slice %slice3A_282 {offsets = [0, 896], sizes = [128, 128], strides = [1, 1]} : vector<128x1024xf32> to vector<128x128xf32>
    %max3A_297 = arith.maximumf %max3A_295, %slice3A_296 : vector<128x128xf32>
    %slice3A_298 = vector.extract_strided_slice %dot_general3A_51 {offsets = [2304, 0], sizes = [128, 1024], strides = [1, 1]} : vector<4096x1024xf32> to vector<128x1024xf32>
    %slice3A_299 = vector.extract_strided_slice %slice3A_298 {offsets = [0, 0], sizes = [128, 128], strides = [1, 1]} : vector<128x1024xf32> to vector<128x128xf32>
    %slice3A_300 = vector.extract_strided_slice %slice3A_298 {offsets = [0, 128], sizes = [128, 128], strides = [1, 1]} : vector<128x1024xf32> to vector<128x128xf32>
    %max3A_301 = arith.maximumf %slice3A_299, %slice3A_300 : vector<128x128xf32>
    %slice3A_302 = vector.extract_strided_slice %slice3A_298 {offsets = [0, 256], sizes = [128, 128], strides = [1, 1]} : vector<128x1024xf32> to vector<128x128xf32>
    %max3A_303 = arith.maximumf %max3A_301, %slice3A_302 : vector<128x128xf32>
    %slice3A_304 = vector.extract_strided_slice %slice3A_298 {offsets = [0, 384], sizes = [128, 128], strides = [1, 1]} : vector<128x1024xf32> to vector<128x128xf32>
    %max3A_305 = arith.maximumf %max3A_303, %slice3A_304 : vector<128x128xf32>
    %slice3A_306 = vector.extract_strided_slice %slice3A_298 {offsets = [0, 512], sizes = [128, 128], strides = [1, 1]} : vector<128x1024xf32> to vector<128x128xf32>
    %max3A_307 = arith.maximumf %max3A_305, %slice3A_306 : vector<128x128xf32>
    %slice3A_308 = vector.extract_strided_slice %slice3A_298 {offsets = [0, 640], sizes = [128, 128], strides = [1, 1]} : vector<128x1024xf32> to vector<128x128xf32>
    %max3A_309 = arith.maximumf %max3A_307, %slice3A_308 : vector<128x128xf32>
    %slice3A_310 = vector.extract_strided_slice %slice3A_298 {offsets = [0, 768], sizes = [128, 128], strides = [1, 1]} : vector<128x1024xf32> to vector<128x128xf32>
    %max3A_311 = arith.maximumf %max3A_309, %slice3A_310 : vector<128x128xf32>
    %slice3A_312 = vector.extract_strided_slice %slice3A_298 {offsets = [0, 896], sizes = [128, 128], strides = [1, 1]} : vector<128x1024xf32> to vector<128x128xf32>
    %max3A_313 = arith.maximumf %max3A_311, %slice3A_312 : vector<128x128xf32>
    %slice3A_314 = vector.extract_strided_slice %dot_general3A_51 {offsets = [2432, 0], sizes = [128, 1024], strides = [1, 1]} : vector<4096x1024xf32> to vector<128x1024xf32>
    %slice3A_315 = vector.extract_strided_slice %slice3A_314 {offsets = [0, 0], sizes = [128, 128], strides = [1, 1]} : vector<128x1024xf32> to vector<128x128xf32>
    %slice3A_316 = vector.extract_strided_slice %slice3A_314 {offsets = [0, 128], sizes = [128, 128], strides = [1, 1]} : vector<128x1024xf32> to vector<128x128xf32>
    %max3A_317 = arith.maximumf %slice3A_315, %slice3A_316 : vector<128x128xf32>
    %slice3A_318 = vector.extract_strided_slice %slice3A_314 {offsets = [0, 256], sizes = [128, 128], strides = [1, 1]} : vector<128x1024xf32> to vector<128x128xf32>
    %max3A_319 = arith.maximumf %max3A_317, %slice3A_318 : vector<128x128xf32>
    %slice3A_320 = vector.extract_strided_slice %slice3A_314 {offsets = [0, 384], sizes = [128, 128], strides = [1, 1]} : vector<128x1024xf32> to vector<128x128xf32>
    %max3A_321 = arith.maximumf %max3A_319, %slice3A_320 : vector<128x128xf32>
    %slice3A_322 = vector.extract_strided_slice %slice3A_314 {offsets = [0, 512], sizes = [128, 128], strides = [1, 1]} : vector<128x1024xf32> to vector<128x128xf32>
    %max3A_323 = arith.maximumf %max3A_321, %slice3A_322 : vector<128x128xf32>
    %slice3A_324 = vector.extract_strided_slice %slice3A_314 {offsets = [0, 640], sizes = [128, 128], strides = [1, 1]} : vector<128x1024xf32> to vector<128x128xf32>
    %max3A_325 = arith.maximumf %max3A_323, %slice3A_324 : vector<128x128xf32>
    %slice3A_326 = vector.extract_strided_slice %slice3A_314 {offsets = [0, 768], sizes = [128, 128], strides = [1, 1]} : vector<128x1024xf32> to vector<128x128xf32>
    %max3A_327 = arith.maximumf %max3A_325, %slice3A_326 : vector<128x128xf32>
    %slice3A_328 = vector.extract_strided_slice %slice3A_314 {offsets = [0, 896], sizes = [128, 128], strides = [1, 1]} : vector<128x1024xf32> to vector<128x128xf32>
    %max3A_329 = arith.maximumf %max3A_327, %slice3A_328 : vector<128x128xf32>
    %slice3A_330 = vector.extract_strided_slice %dot_general3A_51 {offsets = [2560, 0], sizes = [128, 1024], strides = [1, 1]} : vector<4096x1024xf32> to vector<128x1024xf32>
    %slice3A_331 = vector.extract_strided_slice %slice3A_330 {offsets = [0, 0], sizes = [128, 128], strides = [1, 1]} : vector<128x1024xf32> to vector<128x128xf32>
    %slice3A_332 = vector.extract_strided_slice %slice3A_330 {offsets = [0, 128], sizes = [128, 128], strides = [1, 1]} : vector<128x1024xf32> to vector<128x128xf32>
    %max3A_333 = arith.maximumf %slice3A_331, %slice3A_332 : vector<128x128xf32>
    %slice3A_334 = vector.extract_strided_slice %slice3A_330 {offsets = [0, 256], sizes = [128, 128], strides = [1, 1]} : vector<128x1024xf32> to vector<128x128xf32>
    %max3A_335 = arith.maximumf %max3A_333, %slice3A_334 : vector<128x128xf32>
    %slice3A_336 = vector.extract_strided_slice %slice3A_330 {offsets = [0, 384], sizes = [128, 128], strides = [1, 1]} : vector<128x1024xf32> to vector<128x128xf32>
    %max3A_337 = arith.maximumf %max3A_335, %slice3A_336 : vector<128x128xf32>
    %slice3A_338 = vector.extract_strided_slice %slice3A_330 {offsets = [0, 512], sizes = [128, 128], strides = [1, 1]} : vector<128x1024xf32> to vector<128x128xf32>
    %max3A_339 = arith.maximumf %max3A_337, %slice3A_338 : vector<128x128xf32>
    %slice3A_340 = vector.extract_strided_slice %slice3A_330 {offsets = [0, 640], sizes = [128, 128], strides = [1, 1]} : vector<128x1024xf32> to vector<128x128xf32>
    %max3A_341 = arith.maximumf %max3A_339, %slice3A_340 : vector<128x128xf32>
    %slice3A_342 = vector.extract_strided_slice %slice3A_330 {offsets = [0, 768], sizes = [128, 128], strides = [1, 1]} : vector<128x1024xf32> to vector<128x128xf32>
    %max3A_343 = arith.maximumf %max3A_341, %slice3A_342 : vector<128x128xf32>
    %slice3A_344 = vector.extract_strided_slice %slice3A_330 {offsets = [0, 896], sizes = [128, 128], strides = [1, 1]} : vector<128x1024xf32> to vector<128x128xf32>
    %max3A_345 = arith.maximumf %max3A_343, %slice3A_344 : vector<128x128xf32>
    %slice3A_346 = vector.extract_strided_slice %dot_general3A_51 {offsets = [2688, 0], sizes = [128, 1024], strides = [1, 1]} : vector<4096x1024xf32> to vector<128x1024xf32>
    %slice3A_347 = vector.extract_strided_slice %slice3A_346 {offsets = [0, 0], sizes = [128, 128], strides = [1, 1]} : vector<128x1024xf32> to vector<128x128xf32>
    %slice3A_348 = vector.extract_strided_slice %slice3A_346 {offsets = [0, 128], sizes = [128, 128], strides = [1, 1]} : vector<128x1024xf32> to vector<128x128xf32>
    %max3A_349 = arith.maximumf %slice3A_347, %slice3A_348 : vector<128x128xf32>
    %slice3A_350 = vector.extract_strided_slice %slice3A_346 {offsets = [0, 256], sizes = [128, 128], strides = [1, 1]} : vector<128x1024xf32> to vector<128x128xf32>
    %max3A_351 = arith.maximumf %max3A_349, %slice3A_350 : vector<128x128xf32>
    %slice3A_352 = vector.extract_strided_slice %slice3A_346 {offsets = [0, 384], sizes = [128, 128], strides = [1, 1]} : vector<128x1024xf32> to vector<128x128xf32>
    %max3A_353 = arith.maximumf %max3A_351, %slice3A_352 : vector<128x128xf32>
    %slice3A_354 = vector.extract_strided_slice %slice3A_346 {offsets = [0, 512], sizes = [128, 128], strides = [1, 1]} : vector<128x1024xf32> to vector<128x128xf32>
    %max3A_355 = arith.maximumf %max3A_353, %slice3A_354 : vector<128x128xf32>
    %slice3A_356 = vector.extract_strided_slice %slice3A_346 {offsets = [0, 640], sizes = [128, 128], strides = [1, 1]} : vector<128x1024xf32> to vector<128x128xf32>
    %max3A_357 = arith.maximumf %max3A_355, %slice3A_356 : vector<128x128xf32>
    %slice3A_358 = vector.extract_strided_slice %slice3A_346 {offsets = [0, 768], sizes = [128, 128], strides = [1, 1]} : vector<128x1024xf32> to vector<128x128xf32>
    %max3A_359 = arith.maximumf %max3A_357, %slice3A_358 : vector<128x128xf32>
    %slice3A_360 = vector.extract_strided_slice %slice3A_346 {offsets = [0, 896], sizes = [128, 128], strides = [1, 1]} : vector<128x1024xf32> to vector<128x128xf32>
    %max3A_361 = arith.maximumf %max3A_359, %slice3A_360 : vector<128x128xf32>
    %slice3A_362 = vector.extract_strided_slice %dot_general3A_51 {offsets = [2816, 0], sizes = [128, 1024], strides = [1, 1]} : vector<4096x1024xf32> to vector<128x1024xf32>
    %slice3A_363 = vector.extract_strided_slice %slice3A_362 {offsets = [0, 0], sizes = [128, 128], strides = [1, 1]} : vector<128x1024xf32> to vector<128x128xf32>
    %slice3A_364 = vector.extract_strided_slice %slice3A_362 {offsets = [0, 128], sizes = [128, 128], strides = [1, 1]} : vector<128x1024xf32> to vector<128x128xf32>
    %max3A_365 = arith.maximumf %slice3A_363, %slice3A_364 : vector<128x128xf32>
    %slice3A_366 = vector.extract_strided_slice %slice3A_362 {offsets = [0, 256], sizes = [128, 128], strides = [1, 1]} : vector<128x1024xf32> to vector<128x128xf32>
    %max3A_367 = arith.maximumf %max3A_365, %slice3A_366 : vector<128x128xf32>
    %slice3A_368 = vector.extract_strided_slice %slice3A_362 {offsets = [0, 384], sizes = [128, 128], strides = [1, 1]} : vector<128x1024xf32> to vector<128x128xf32>
    %max3A_369 = arith.maximumf %max3A_367, %slice3A_368 : vector<128x128xf32>
    %slice3A_370 = vector.extract_strided_slice %slice3A_362 {offsets = [0, 512], sizes = [128, 128], strides = [1, 1]} : vector<128x1024xf32> to vector<128x128xf32>
    %max3A_371 = arith.maximumf %max3A_369, %slice3A_370 : vector<128x128xf32>
    %slice3A_372 = vector.extract_strided_slice %slice3A_362 {offsets = [0, 640], sizes = [128, 128], strides = [1, 1]} : vector<128x1024xf32> to vector<128x128xf32>
    %max3A_373 = arith.maximumf %max3A_371, %slice3A_372 : vector<128x128xf32>
    %slice3A_374 = vector.extract_strided_slice %slice3A_362 {offsets = [0, 768], sizes = [128, 128], strides = [1, 1]} : vector<128x1024xf32> to vector<128x128xf32>
    %max3A_375 = arith.maximumf %max3A_373, %slice3A_374 : vector<128x128xf32>
    %slice3A_376 = vector.extract_strided_slice %slice3A_362 {offsets = [0, 896], sizes = [128, 128], strides = [1, 1]} : vector<128x1024xf32> to vector<128x128xf32>
    %max3A_377 = arith.maximumf %max3A_375, %slice3A_376 : vector<128x128xf32>
    %slice3A_378 = vector.extract_strided_slice %dot_general3A_51 {offsets = [2944, 0], sizes = [128, 1024], strides = [1, 1]} : vector<4096x1024xf32> to vector<128x1024xf32>
    %slice3A_379 = vector.extract_strided_slice %slice3A_378 {offsets = [0, 0], sizes = [128, 128], strides = [1, 1]} : vector<128x1024xf32> to vector<128x128xf32>
    %slice3A_380 = vector.extract_strided_slice %slice3A_378 {offsets = [0, 128], sizes = [128, 128], strides = [1, 1]} : vector<128x1024xf32> to vector<128x128xf32>
    %max3A_381 = arith.maximumf %slice3A_379, %slice3A_380 : vector<128x128xf32>
    %slice3A_382 = vector.extract_strided_slice %slice3A_378 {offsets = [0, 256], sizes = [128, 128], strides = [1, 1]} : vector<128x1024xf32> to vector<128x128xf32>
    %max3A_383 = arith.maximumf %max3A_381, %slice3A_382 : vector<128x128xf32>
    %slice3A_384 = vector.extract_strided_slice %slice3A_378 {offsets = [0, 384], sizes = [128, 128], strides = [1, 1]} : vector<128x1024xf32> to vector<128x128xf32>
    %max3A_385 = arith.maximumf %max3A_383, %slice3A_384 : vector<128x128xf32>
    %slice3A_386 = vector.extract_strided_slice %slice3A_378 {offsets = [0, 512], sizes = [128, 128], strides = [1, 1]} : vector<128x1024xf32> to vector<128x128xf32>
    %max3A_387 = arith.maximumf %max3A_385, %slice3A_386 : vector<128x128xf32>
    %slice3A_388 = vector.extract_strided_slice %slice3A_378 {offsets = [0, 640], sizes = [128, 128], strides = [1, 1]} : vector<128x1024xf32> to vector<128x128xf32>
    %max3A_389 = arith.maximumf %max3A_387, %slice3A_388 : vector<128x128xf32>
    %slice3A_390 = vector.extract_strided_slice %slice3A_378 {offsets = [0, 768], sizes = [128, 128], strides = [1, 1]} : vector<128x1024xf32> to vector<128x128xf32>
    %max3A_391 = arith.maximumf %max3A_389, %slice3A_390 : vector<128x128xf32>
    %slice3A_392 = vector.extract_strided_slice %slice3A_378 {offsets = [0, 896], sizes = [128, 128], strides = [1, 1]} : vector<128x1024xf32> to vector<128x128xf32>
    %max3A_393 = arith.maximumf %max3A_391, %slice3A_392 : vector<128x128xf32>
    %slice3A_394 = vector.extract_strided_slice %dot_general3A_51 {offsets = [3072, 0], sizes = [128, 1024], strides = [1, 1]} : vector<4096x1024xf32> to vector<128x1024xf32>
    %slice3A_395 = vector.extract_strided_slice %slice3A_394 {offsets = [0, 0], sizes = [128, 128], strides = [1, 1]} : vector<128x1024xf32> to vector<128x128xf32>
    %slice3A_396 = vector.extract_strided_slice %slice3A_394 {offsets = [0, 128], sizes = [128, 128], strides = [1, 1]} : vector<128x1024xf32> to vector<128x128xf32>
    %max3A_397 = arith.maximumf %slice3A_395, %slice3A_396 : vector<128x128xf32>
    %slice3A_398 = vector.extract_strided_slice %slice3A_394 {offsets = [0, 256], sizes = [128, 128], strides = [1, 1]} : vector<128x1024xf32> to vector<128x128xf32>
    %max3A_399 = arith.maximumf %max3A_397, %slice3A_398 : vector<128x128xf32>
    %slice3A_400 = vector.extract_strided_slice %slice3A_394 {offsets = [0, 384], sizes = [128, 128], strides = [1, 1]} : vector<128x1024xf32> to vector<128x128xf32>
    %max3A_401 = arith.maximumf %max3A_399, %slice3A_400 : vector<128x128xf32>
    %slice3A_402 = vector.extract_strided_slice %slice3A_394 {offsets = [0, 512], sizes = [128, 128], strides = [1, 1]} : vector<128x1024xf32> to vector<128x128xf32>
    %max3A_403 = arith.maximumf %max3A_401, %slice3A_402 : vector<128x128xf32>
    %slice3A_404 = vector.extract_strided_slice %slice3A_394 {offsets = [0, 640], sizes = [128, 128], strides = [1, 1]} : vector<128x1024xf32> to vector<128x128xf32>
    %max3A_405 = arith.maximumf %max3A_403, %slice3A_404 : vector<128x128xf32>
    %slice3A_406 = vector.extract_strided_slice %slice3A_394 {offsets = [0, 768], sizes = [128, 128], strides = [1, 1]} : vector<128x1024xf32> to vector<128x128xf32>
    %max3A_407 = arith.maximumf %max3A_405, %slice3A_406 : vector<128x128xf32>
    %slice3A_408 = vector.extract_strided_slice %slice3A_394 {offsets = [0, 896], sizes = [128, 128], strides = [1, 1]} : vector<128x1024xf32> to vector<128x128xf32>
    %max3A_409 = arith.maximumf %max3A_407, %slice3A_408 : vector<128x128xf32>
    %slice3A_410 = vector.extract_strided_slice %dot_general3A_51 {offsets = [3200, 0], sizes = [128, 1024], strides = [1, 1]} : vector<4096x1024xf32> to vector<128x1024xf32>
    %slice3A_411 = vector.extract_strided_slice %slice3A_410 {offsets = [0, 0], sizes = [128, 128], strides = [1, 1]} : vector<128x1024xf32> to vector<128x128xf32>
    %slice3A_412 = vector.extract_strided_slice %slice3A_410 {offsets = [0, 128], sizes = [128, 128], strides = [1, 1]} : vector<128x1024xf32> to vector<128x128xf32>
    %max3A_413 = arith.maximumf %slice3A_411, %slice3A_412 : vector<128x128xf32>
    %slice3A_414 = vector.extract_strided_slice %slice3A_410 {offsets = [0, 256], sizes = [128, 128], strides = [1, 1]} : vector<128x1024xf32> to vector<128x128xf32>
    %max3A_415 = arith.maximumf %max3A_413, %slice3A_414 : vector<128x128xf32>
    %slice3A_416 = vector.extract_strided_slice %slice3A_410 {offsets = [0, 384], sizes = [128, 128], strides = [1, 1]} : vector<128x1024xf32> to vector<128x128xf32>
    %max3A_417 = arith.maximumf %max3A_415, %slice3A_416 : vector<128x128xf32>
    %slice3A_418 = vector.extract_strided_slice %slice3A_410 {offsets = [0, 512], sizes = [128, 128], strides = [1, 1]} : vector<128x1024xf32> to vector<128x128xf32>
    %max3A_419 = arith.maximumf %max3A_417, %slice3A_418 : vector<128x128xf32>
    %slice3A_420 = vector.extract_strided_slice %slice3A_410 {offsets = [0, 640], sizes = [128, 128], strides = [1, 1]} : vector<128x1024xf32> to vector<128x128xf32>
    %max3A_421 = arith.maximumf %max3A_419, %slice3A_420 : vector<128x128xf32>
    %slice3A_422 = vector.extract_strided_slice %slice3A_410 {offsets = [0, 768], sizes = [128, 128], strides = [1, 1]} : vector<128x1024xf32> to vector<128x128xf32>
    %max3A_423 = arith.maximumf %max3A_421, %slice3A_422 : vector<128x128xf32>
    %slice3A_424 = vector.extract_strided_slice %slice3A_410 {offsets = [0, 896], sizes = [128, 128], strides = [1, 1]} : vector<128x1024xf32> to vector<128x128xf32>
    %max3A_425 = arith.maximumf %max3A_423, %slice3A_424 : vector<128x128xf32>
    %slice3A_426 = vector.extract_strided_slice %dot_general3A_51 {offsets = [3328, 0], sizes = [128, 1024], strides = [1, 1]} : vector<4096x1024xf32> to vector<128x1024xf32>
    %slice3A_427 = vector.extract_strided_slice %slice3A_426 {offsets = [0, 0], sizes = [128, 128], strides = [1, 1]} : vector<128x1024xf32> to vector<128x128xf32>
    %slice3A_428 = vector.extract_strided_slice %slice3A_426 {offsets = [0, 128], sizes = [128, 128], strides = [1, 1]} : vector<128x1024xf32> to vector<128x128xf32>
    %max3A_429 = arith.maximumf %slice3A_427, %slice3A_428 : vector<128x128xf32>
    %slice3A_430 = vector.extract_strided_slice %slice3A_426 {offsets = [0, 256], sizes = [128, 128], strides = [1, 1]} : vector<128x1024xf32> to vector<128x128xf32>
    %max3A_431 = arith.maximumf %max3A_429, %slice3A_430 : vector<128x128xf32>
    %slice3A_432 = vector.extract_strided_slice %slice3A_426 {offsets = [0, 384], sizes = [128, 128], strides = [1, 1]} : vector<128x1024xf32> to vector<128x128xf32>
    %max3A_433 = arith.maximumf %max3A_431, %slice3A_432 : vector<128x128xf32>
    %slice3A_434 = vector.extract_strided_slice %slice3A_426 {offsets = [0, 512], sizes = [128, 128], strides = [1, 1]} : vector<128x1024xf32> to vector<128x128xf32>
    %max3A_435 = arith.maximumf %max3A_433, %slice3A_434 : vector<128x128xf32>
    %slice3A_436 = vector.extract_strided_slice %slice3A_426 {offsets = [0, 640], sizes = [128, 128], strides = [1, 1]} : vector<128x1024xf32> to vector<128x128xf32>
    %max3A_437 = arith.maximumf %max3A_435, %slice3A_436 : vector<128x128xf32>
    %slice3A_438 = vector.extract_strided_slice %slice3A_426 {offsets = [0, 768], sizes = [128, 128], strides = [1, 1]} : vector<128x1024xf32> to vector<128x128xf32>
    %max3A_439 = arith.maximumf %max3A_437, %slice3A_438 : vector<128x128xf32>
    %slice3A_440 = vector.extract_strided_slice %slice3A_426 {offsets = [0, 896], sizes = [128, 128], strides = [1, 1]} : vector<128x1024xf32> to vector<128x128xf32>
    %max3A_441 = arith.maximumf %max3A_439, %slice3A_440 : vector<128x128xf32>
    %slice3A_442 = vector.extract_strided_slice %dot_general3A_51 {offsets = [3456, 0], sizes = [128, 1024], strides = [1, 1]} : vector<4096x1024xf32> to vector<128x1024xf32>
    %slice3A_443 = vector.extract_strided_slice %slice3A_442 {offsets = [0, 0], sizes = [128, 128], strides = [1, 1]} : vector<128x1024xf32> to vector<128x128xf32>
    %slice3A_444 = vector.extract_strided_slice %slice3A_442 {offsets = [0, 128], sizes = [128, 128], strides = [1, 1]} : vector<128x1024xf32> to vector<128x128xf32>
    %max3A_445 = arith.maximumf %slice3A_443, %slice3A_444 : vector<128x128xf32>
    %slice3A_446 = vector.extract_strided_slice %slice3A_442 {offsets = [0, 256], sizes = [128, 128], strides = [1, 1]} : vector<128x1024xf32> to vector<128x128xf32>
    %max3A_447 = arith.maximumf %max3A_445, %slice3A_446 : vector<128x128xf32>
    %slice3A_448 = vector.extract_strided_slice %slice3A_442 {offsets = [0, 384], sizes = [128, 128], strides = [1, 1]} : vector<128x1024xf32> to vector<128x128xf32>
    %max3A_449 = arith.maximumf %max3A_447, %slice3A_448 : vector<128x128xf32>
    %slice3A_450 = vector.extract_strided_slice %slice3A_442 {offsets = [0, 512], sizes = [128, 128], strides = [1, 1]} : vector<128x1024xf32> to vector<128x128xf32>
    %max3A_451 = arith.maximumf %max3A_449, %slice3A_450 : vector<128x128xf32>
    %slice3A_452 = vector.extract_strided_slice %slice3A_442 {offsets = [0, 640], sizes = [128, 128], strides = [1, 1]} : vector<128x1024xf32> to vector<128x128xf32>
    %max3A_453 = arith.maximumf %max3A_451, %slice3A_452 : vector<128x128xf32>
    %slice3A_454 = vector.extract_strided_slice %slice3A_442 {offsets = [0, 768], sizes = [128, 128], strides = [1, 1]} : vector<128x1024xf32> to vector<128x128xf32>
    %max3A_455 = arith.maximumf %max3A_453, %slice3A_454 : vector<128x128xf32>
    %slice3A_456 = vector.extract_strided_slice %slice3A_442 {offsets = [0, 896], sizes = [128, 128], strides = [1, 1]} : vector<128x1024xf32> to vector<128x128xf32>
    %max3A_457 = arith.maximumf %max3A_455, %slice3A_456 : vector<128x128xf32>
    %slice3A_458 = vector.extract_strided_slice %dot_general3A_51 {offsets = [3584, 0], sizes = [128, 1024], strides = [1, 1]} : vector<4096x1024xf32> to vector<128x1024xf32>
    %slice3A_459 = vector.extract_strided_slice %slice3A_458 {offsets = [0, 0], sizes = [128, 128], strides = [1, 1]} : vector<128x1024xf32> to vector<128x128xf32>
    %slice3A_460 = vector.extract_strided_slice %slice3A_458 {offsets = [0, 128], sizes = [128, 128], strides = [1, 1]} : vector<128x1024xf32> to vector<128x128xf32>
    %max3A_461 = arith.maximumf %slice3A_459, %slice3A_460 : vector<128x128xf32>
    %slice3A_462 = vector.extract_strided_slice %slice3A_458 {offsets = [0, 256], sizes = [128, 128], strides = [1, 1]} : vector<128x1024xf32> to vector<128x128xf32>
    %max3A_463 = arith.maximumf %max3A_461, %slice3A_462 : vector<128x128xf32>
    %slice3A_464 = vector.extract_strided_slice %slice3A_458 {offsets = [0, 384], sizes = [128, 128], strides = [1, 1]} : vector<128x1024xf32> to vector<128x128xf32>
    %max3A_465 = arith.maximumf %max3A_463, %slice3A_464 : vector<128x128xf32>
    %slice3A_466 = vector.extract_strided_slice %slice3A_458 {offsets = [0, 512], sizes = [128, 128], strides = [1, 1]} : vector<128x1024xf32> to vector<128x128xf32>
    %max3A_467 = arith.maximumf %max3A_465, %slice3A_466 : vector<128x128xf32>
    %slice3A_468 = vector.extract_strided_slice %slice3A_458 {offsets = [0, 640], sizes = [128, 128], strides = [1, 1]} : vector<128x1024xf32> to vector<128x128xf32>
    %max3A_469 = arith.maximumf %max3A_467, %slice3A_468 : vector<128x128xf32>
    %slice3A_470 = vector.extract_strided_slice %slice3A_458 {offsets = [0, 768], sizes = [128, 128], strides = [1, 1]} : vector<128x1024xf32> to vector<128x128xf32>
    %max3A_471 = arith.maximumf %max3A_469, %slice3A_470 : vector<128x128xf32>
    %slice3A_472 = vector.extract_strided_slice %slice3A_458 {offsets = [0, 896], sizes = [128, 128], strides = [1, 1]} : vector<128x1024xf32> to vector<128x128xf32>
    %max3A_473 = arith.maximumf %max3A_471, %slice3A_472 : vector<128x128xf32>
    %slice3A_474 = vector.extract_strided_slice %dot_general3A_51 {offsets = [3712, 0], sizes = [128, 1024], strides = [1, 1]} : vector<4096x1024xf32> to vector<128x1024xf32>
    %slice3A_475 = vector.extract_strided_slice %slice3A_474 {offsets = [0, 0], sizes = [128, 128], strides = [1, 1]} : vector<128x1024xf32> to vector<128x128xf32>
    %slice3A_476 = vector.extract_strided_slice %slice3A_474 {offsets = [0, 128], sizes = [128, 128], strides = [1, 1]} : vector<128x1024xf32> to vector<128x128xf32>
    %max3A_477 = arith.maximumf %slice3A_475, %slice3A_476 : vector<128x128xf32>
    %slice3A_478 = vector.extract_strided_slice %slice3A_474 {offsets = [0, 256], sizes = [128, 128], strides = [1, 1]} : vector<128x1024xf32> to vector<128x128xf32>
    %max3A_479 = arith.maximumf %max3A_477, %slice3A_478 : vector<128x128xf32>
    %slice3A_480 = vector.extract_strided_slice %slice3A_474 {offsets = [0, 384], sizes = [128, 128], strides = [1, 1]} : vector<128x1024xf32> to vector<128x128xf32>
    %max3A_481 = arith.maximumf %max3A_479, %slice3A_480 : vector<128x128xf32>
    %slice3A_482 = vector.extract_strided_slice %slice3A_474 {offsets = [0, 512], sizes = [128, 128], strides = [1, 1]} : vector<128x1024xf32> to vector<128x128xf32>
    %max3A_483 = arith.maximumf %max3A_481, %slice3A_482 : vector<128x128xf32>
    %slice3A_484 = vector.extract_strided_slice %slice3A_474 {offsets = [0, 640], sizes = [128, 128], strides = [1, 1]} : vector<128x1024xf32> to vector<128x128xf32>
    %max3A_485 = arith.maximumf %max3A_483, %slice3A_484 : vector<128x128xf32>
    %slice3A_486 = vector.extract_strided_slice %slice3A_474 {offsets = [0, 768], sizes = [128, 128], strides = [1, 1]} : vector<128x1024xf32> to vector<128x128xf32>
    %max3A_487 = arith.maximumf %max3A_485, %slice3A_486 : vector<128x128xf32>
    %slice3A_488 = vector.extract_strided_slice %slice3A_474 {offsets = [0, 896], sizes = [128, 128], strides = [1, 1]} : vector<128x1024xf32> to vector<128x128xf32>
    %max3A_489 = arith.maximumf %max3A_487, %slice3A_488 : vector<128x128xf32>
    %slice3A_490 = vector.extract_strided_slice %dot_general3A_51 {offsets = [3840, 0], sizes = [128, 1024], strides = [1, 1]} : vector<4096x1024xf32> to vector<128x1024xf32>
    %slice3A_491 = vector.extract_strided_slice %slice3A_490 {offsets = [0, 0], sizes = [128, 128], strides = [1, 1]} : vector<128x1024xf32> to vector<128x128xf32>
    %slice3A_492 = vector.extract_strided_slice %slice3A_490 {offsets = [0, 128], sizes = [128, 128], strides = [1, 1]} : vector<128x1024xf32> to vector<128x128xf32>
    %max3A_493 = arith.maximumf %slice3A_491, %slice3A_492 : vector<128x128xf32>
    %slice3A_494 = vector.extract_strided_slice %slice3A_490 {offsets = [0, 256], sizes = [128, 128], strides = [1, 1]} : vector<128x1024xf32> to vector<128x128xf32>
    %max3A_495 = arith.maximumf %max3A_493, %slice3A_494 : vector<128x128xf32>
    %slice3A_496 = vector.extract_strided_slice %slice3A_490 {offsets = [0, 384], sizes = [128, 128], strides = [1, 1]} : vector<128x1024xf32> to vector<128x128xf32>
    %max3A_497 = arith.maximumf %max3A_495, %slice3A_496 : vector<128x128xf32>
    %slice3A_498 = vector.extract_strided_slice %slice3A_490 {offsets = [0, 512], sizes = [128, 128], strides = [1, 1]} : vector<128x1024xf32> to vector<128x128xf32>
    %max3A_499 = arith.maximumf %max3A_497, %slice3A_498 : vector<128x128xf32>
    %slice3A_500 = vector.extract_strided_slice %slice3A_490 {offsets = [0, 640], sizes = [128, 128], strides = [1, 1]} : vector<128x1024xf32> to vector<128x128xf32>
    %max3A_501 = arith.maximumf %max3A_499, %slice3A_500 : vector<128x128xf32>
    %slice3A_502 = vector.extract_strided_slice %slice3A_490 {offsets = [0, 768], sizes = [128, 128], strides = [1, 1]} : vector<128x1024xf32> to vector<128x128xf32>
    %max3A_503 = arith.maximumf %max3A_501, %slice3A_502 : vector<128x128xf32>
    %slice3A_504 = vector.extract_strided_slice %slice3A_490 {offsets = [0, 896], sizes = [128, 128], strides = [1, 1]} : vector<128x1024xf32> to vector<128x128xf32>
    %max3A_505 = arith.maximumf %max3A_503, %slice3A_504 : vector<128x128xf32>
    %slice3A_506 = vector.extract_strided_slice %dot_general3A_51 {offsets = [3968, 0], sizes = [128, 1024], strides = [1, 1]} : vector<4096x1024xf32> to vector<128x1024xf32>
    %slice3A_507 = vector.extract_strided_slice %slice3A_506 {offsets = [0, 0], sizes = [128, 128], strides = [1, 1]} : vector<128x1024xf32> to vector<128x128xf32>
    %slice3A_508 = vector.extract_strided_slice %slice3A_506 {offsets = [0, 128], sizes = [128, 128], strides = [1, 1]} : vector<128x1024xf32> to vector<128x128xf32>
    %max3A_509 = arith.maximumf %slice3A_507, %slice3A_508 : vector<128x128xf32>
    %slice3A_510 = vector.extract_strided_slice %slice3A_506 {offsets = [0, 256], sizes = [128, 128], strides = [1, 1]} : vector<128x1024xf32> to vector<128x128xf32>
    %max3A_511 = arith.maximumf %max3A_509, %slice3A_510 : vector<128x128xf32>
    %slice3A_512 = vector.extract_strided_slice %slice3A_506 {offsets = [0, 384], sizes = [128, 128], strides = [1, 1]} : vector<128x1024xf32> to vector<128x128xf32>
    %max3A_513 = arith.maximumf %max3A_511, %slice3A_512 : vector<128x128xf32>
    %slice3A_514 = vector.extract_strided_slice %slice3A_506 {offsets = [0, 512], sizes = [128, 128], strides = [1, 1]} : vector<128x1024xf32> to vector<128x128xf32>
    %max3A_515 = arith.maximumf %max3A_513, %slice3A_514 : vector<128x128xf32>
    %slice3A_516 = vector.extract_strided_slice %slice3A_506 {offsets = [0, 640], sizes = [128, 128], strides = [1, 1]} : vector<128x1024xf32> to vector<128x128xf32>
    %max3A_517 = arith.maximumf %max3A_515, %slice3A_516 : vector<128x128xf32>
    %slice3A_518 = vector.extract_strided_slice %slice3A_506 {offsets = [0, 768], sizes = [128, 128], strides = [1, 1]} : vector<128x1024xf32> to vector<128x128xf32>
    %max3A_519 = arith.maximumf %max3A_517, %slice3A_518 : vector<128x128xf32>
    %slice3A_520 = vector.extract_strided_slice %slice3A_506 {offsets = [0, 896], sizes = [128, 128], strides = [1, 1]} : vector<128x1024xf32> to vector<128x128xf32>
    %max3A_521 = arith.maximumf %max3A_519, %slice3A_520 : vector<128x128xf32>
    %get3A_522 = arith.constant 1024 : index
    %get3A_523 = arith.constant 0 : index
    %get3A_524 = vector.load %arg3[%get3A_522, %get3A_523] : memref<4096x136xbf16, #tpu.memory_space<vmem>>, vector<3072x136xbf16>
    %get3A_525 = arith.constant 1024 : index
    %get3A_526 = arith.constant 0 : index
    %get3A_527 = vector.load %arg4[%get3A_525, %get3A_526] : memref<4096x136xbf16, #tpu.memory_space<vmem>>, vector<1024x136xbf16>
    %dot_general3A_528 = arith.constant dense<0.000000e+00> : vector<3072x1024xf32>
    %dot_general3A_529 = tpu.matmul %get3A_524, %get3A_527, %dot_general3A_528 {dimension_numbers = #tpu.dot_dimension_numbers<[1], [1], [0], [0], [0, 0, 1, 0], [], []>, transpose_lhs_hint = false} : vector<3072x136xbf16>, vector<1024x136xbf16>, vector<3072x1024xf32> -> vector<3072x1024xf32>
    %slice3A_530 = vector.extract_strided_slice %dot_general3A_529 {offsets = [0, 0], sizes = [128, 128], strides = [1, 1]} : vector<3072x1024xf32> to vector<128x128xf32>
    %jit3A_531 = arith.constant -3.000000e+09 : f32
    %broadcast_in_dim3A_532 = vector.broadcast %jit3A_531 : f32 to vector<128x128xf32>
    %select_n3A_533 = arith.select %le3A, %slice3A_530, %broadcast_in_dim3A_532 : vector<128x128xi1>, vector<128x128xf32>
    %max3A_534 = arith.maximumf %max3A_153, %select_n3A_533 : vector<128x128xf32>
    %slice3A_535 = vector.extract_strided_slice %dot_general3A_529 {offsets = [128, 128], sizes = [128, 128], strides = [1, 1]} : vector<3072x1024xf32> to vector<128x128xf32>
    %jit3A_536 = arith.constant -3.000000e+09 : f32
    %broadcast_in_dim3A_537 = vector.broadcast %jit3A_536 : f32 to vector<128x128xf32>
    %select_n3A_538 = arith.select %le3A, %slice3A_535, %broadcast_in_dim3A_537 : vector<128x128xi1>, vector<128x128xf32>
    %slice3A_539 = vector.extract_strided_slice %dot_general3A_529 {offsets = [128, 0], sizes = [128, 128], strides = [1, 1]} : vector<3072x1024xf32> to vector<128x128xf32>
    %max3A_540 = arith.maximumf %select_n3A_538, %slice3A_539 : vector<128x128xf32>
    %max3A_541 = arith.maximumf %max3A_169, %max3A_540 : vector<128x128xf32>
    %slice3A_542 = vector.extract_strided_slice %dot_general3A_529 {offsets = [256, 256], sizes = [128, 128], strides = [1, 1]} : vector<3072x1024xf32> to vector<128x128xf32>
    %jit3A_543 = arith.constant -3.000000e+09 : f32
    %broadcast_in_dim3A_544 = vector.broadcast %jit3A_543 : f32 to vector<128x128xf32>
    %select_n3A_545 = arith.select %le3A, %slice3A_542, %broadcast_in_dim3A_544 : vector<128x128xi1>, vector<128x128xf32>
    %slice3A_546 = vector.extract_strided_slice %dot_general3A_529 {offsets = [256, 0], sizes = [128, 128], strides = [1, 1]} : vector<3072x1024xf32> to vector<128x128xf32>
    %max3A_547 = arith.maximumf %select_n3A_545, %slice3A_546 : vector<128x128xf32>
    %slice3A_548 = vector.extract_strided_slice %dot_general3A_529 {offsets = [256, 128], sizes = [128, 128], strides = [1, 1]} : vector<3072x1024xf32> to vector<128x128xf32>
    %max3A_549 = arith.maximumf %max3A_547, %slice3A_548 : vector<128x128xf32>
    %max3A_550 = arith.maximumf %max3A_185, %max3A_549 : vector<128x128xf32>
    %slice3A_551 = vector.extract_strided_slice %dot_general3A_529 {offsets = [384, 384], sizes = [128, 128], strides = [1, 1]} : vector<3072x1024xf32> to vector<128x128xf32>
    %jit3A_552 = arith.constant -3.000000e+09 : f32
    %broadcast_in_dim3A_553 = vector.broadcast %jit3A_552 : f32 to vector<128x128xf32>
    %select_n3A_554 = arith.select %le3A, %slice3A_551, %broadcast_in_dim3A_553 : vector<128x128xi1>, vector<128x128xf32>
    %slice3A_555 = vector.extract_strided_slice %dot_general3A_529 {offsets = [384, 0], sizes = [128, 128], strides = [1, 1]} : vector<3072x1024xf32> to vector<128x128xf32>
    %max3A_556 = arith.maximumf %select_n3A_554, %slice3A_555 : vector<128x128xf32>
    %slice3A_557 = vector.extract_strided_slice %dot_general3A_529 {offsets = [384, 128], sizes = [128, 128], strides = [1, 1]} : vector<3072x1024xf32> to vector<128x128xf32>
    %max3A_558 = arith.maximumf %max3A_556, %slice3A_557 : vector<128x128xf32>
    %slice3A_559 = vector.extract_strided_slice %dot_general3A_529 {offsets = [384, 256], sizes = [128, 128], strides = [1, 1]} : vector<3072x1024xf32> to vector<128x128xf32>
    %max3A_560 = arith.maximumf %max3A_558, %slice3A_559 : vector<128x128xf32>
    %max3A_561 = arith.maximumf %max3A_201, %max3A_560 : vector<128x128xf32>
    %slice3A_562 = vector.extract_strided_slice %dot_general3A_529 {offsets = [512, 512], sizes = [128, 128], strides = [1, 1]} : vector<3072x1024xf32> to vector<128x128xf32>
    %jit3A_563 = arith.constant -3.000000e+09 : f32
    %broadcast_in_dim3A_564 = vector.broadcast %jit3A_563 : f32 to vector<128x128xf32>
    %select_n3A_565 = arith.select %le3A, %slice3A_562, %broadcast_in_dim3A_564 : vector<128x128xi1>, vector<128x128xf32>
    %slice3A_566 = vector.extract_strided_slice %dot_general3A_529 {offsets = [512, 0], sizes = [128, 128], strides = [1, 1]} : vector<3072x1024xf32> to vector<128x128xf32>
    %max3A_567 = arith.maximumf %select_n3A_565, %slice3A_566 : vector<128x128xf32>
    %slice3A_568 = vector.extract_strided_slice %dot_general3A_529 {offsets = [512, 128], sizes = [128, 128], strides = [1, 1]} : vector<3072x1024xf32> to vector<128x128xf32>
    %max3A_569 = arith.maximumf %max3A_567, %slice3A_568 : vector<128x128xf32>
    %slice3A_570 = vector.extract_strided_slice %dot_general3A_529 {offsets = [512, 256], sizes = [128, 128], strides = [1, 1]} : vector<3072x1024xf32> to vector<128x128xf32>
    %max3A_571 = arith.maximumf %max3A_569, %slice3A_570 : vector<128x128xf32>
    %slice3A_572 = vector.extract_strided_slice %dot_general3A_529 {offsets = [512, 384], sizes = [128, 128], strides = [1, 1]} : vector<3072x1024xf32> to vector<128x128xf32>
    %max3A_573 = arith.maximumf %max3A_571, %slice3A_572 : vector<128x128xf32>
    %max3A_574 = arith.maximumf %max3A_217, %max3A_573 : vector<128x128xf32>
    %slice3A_575 = vector.extract_strided_slice %dot_general3A_529 {offsets = [640, 640], sizes = [128, 128], strides = [1, 1]} : vector<3072x1024xf32> to vector<128x128xf32>
    %jit3A_576 = arith.constant -3.000000e+09 : f32
    %broadcast_in_dim3A_577 = vector.broadcast %jit3A_576 : f32 to vector<128x128xf32>
    %select_n3A_578 = arith.select %le3A, %slice3A_575, %broadcast_in_dim3A_577 : vector<128x128xi1>, vector<128x128xf32>
    %slice3A_579 = vector.extract_strided_slice %dot_general3A_529 {offsets = [640, 0], sizes = [128, 128], strides = [1, 1]} : vector<3072x1024xf32> to vector<128x128xf32>
    %max3A_580 = arith.maximumf %select_n3A_578, %slice3A_579 : vector<128x128xf32>
    %slice3A_581 = vector.extract_strided_slice %dot_general3A_529 {offsets = [640, 128], sizes = [128, 128], strides = [1, 1]} : vector<3072x1024xf32> to vector<128x128xf32>
    %max3A_582 = arith.maximumf %max3A_580, %slice3A_581 : vector<128x128xf32>
    %slice3A_583 = vector.extract_strided_slice %dot_general3A_529 {offsets = [640, 256], sizes = [128, 128], strides = [1, 1]} : vector<3072x1024xf32> to vector<128x128xf32>
    %max3A_584 = arith.maximumf %max3A_582, %slice3A_583 : vector<128x128xf32>
    %slice3A_585 = vector.extract_strided_slice %dot_general3A_529 {offsets = [640, 384], sizes = [128, 128], strides = [1, 1]} : vector<3072x1024xf32> to vector<128x128xf32>
    %max3A_586 = arith.maximumf %max3A_584, %slice3A_585 : vector<128x128xf32>
    %slice3A_587 = vector.extract_strided_slice %dot_general3A_529 {offsets = [640, 512], sizes = [128, 128], strides = [1, 1]} : vector<3072x1024xf32> to vector<128x128xf32>
    %max3A_588 = arith.maximumf %max3A_586, %slice3A_587 : vector<128x128xf32>
    %max3A_589 = arith.maximumf %max3A_233, %max3A_588 : vector<128x128xf32>
    %slice3A_590 = vector.extract_strided_slice %dot_general3A_529 {offsets = [768, 768], sizes = [128, 128], strides = [1, 1]} : vector<3072x1024xf32> to vector<128x128xf32>
    %jit3A_591 = arith.constant -3.000000e+09 : f32
    %broadcast_in_dim3A_592 = vector.broadcast %jit3A_591 : f32 to vector<128x128xf32>
    %select_n3A_593 = arith.select %le3A, %slice3A_590, %broadcast_in_dim3A_592 : vector<128x128xi1>, vector<128x128xf32>
    %slice3A_594 = vector.extract_strided_slice %dot_general3A_529 {offsets = [768, 0], sizes = [128, 128], strides = [1, 1]} : vector<3072x1024xf32> to vector<128x128xf32>
    %max3A_595 = arith.maximumf %select_n3A_593, %slice3A_594 : vector<128x128xf32>
    %slice3A_596 = vector.extract_strided_slice %dot_general3A_529 {offsets = [768, 128], sizes = [128, 128], strides = [1, 1]} : vector<3072x1024xf32> to vector<128x128xf32>
    %max3A_597 = arith.maximumf %max3A_595, %slice3A_596 : vector<128x128xf32>
    %slice3A_598 = vector.extract_strided_slice %dot_general3A_529 {offsets = [768, 256], sizes = [128, 128], strides = [1, 1]} : vector<3072x1024xf32> to vector<128x128xf32>
    %max3A_599 = arith.maximumf %max3A_597, %slice3A_598 : vector<128x128xf32>
    %slice3A_600 = vector.extract_strided_slice %dot_general3A_529 {offsets = [768, 384], sizes = [128, 128], strides = [1, 1]} : vector<3072x1024xf32> to vector<128x128xf32>
    %max3A_601 = arith.maximumf %max3A_599, %slice3A_600 : vector<128x128xf32>
    %slice3A_602 = vector.extract_strided_slice %dot_general3A_529 {offsets = [768, 512], sizes = [128, 128], strides = [1, 1]} : vector<3072x1024xf32> to vector<128x128xf32>
    %max3A_603 = arith.maximumf %max3A_601, %slice3A_602 : vector<128x128xf32>
    %slice3A_604 = vector.extract_strided_slice %dot_general3A_529 {offsets = [768, 640], sizes = [128, 128], strides = [1, 1]} : vector<3072x1024xf32> to vector<128x128xf32>
    %max3A_605 = arith.maximumf %max3A_603, %slice3A_604 : vector<128x128xf32>
    %max3A_606 = arith.maximumf %max3A_249, %max3A_605 : vector<128x128xf32>
    %slice3A_607 = vector.extract_strided_slice %dot_general3A_529 {offsets = [896, 896], sizes = [128, 128], strides = [1, 1]} : vector<3072x1024xf32> to vector<128x128xf32>
    %jit3A_608 = arith.constant -3.000000e+09 : f32
    %broadcast_in_dim3A_609 = vector.broadcast %jit3A_608 : f32 to vector<128x128xf32>
    %select_n3A_610 = arith.select %le3A, %slice3A_607, %broadcast_in_dim3A_609 : vector<128x128xi1>, vector<128x128xf32>
    %slice3A_611 = vector.extract_strided_slice %dot_general3A_529 {offsets = [896, 0], sizes = [128, 128], strides = [1, 1]} : vector<3072x1024xf32> to vector<128x128xf32>
    %max3A_612 = arith.maximumf %select_n3A_610, %slice3A_611 : vector<128x128xf32>
    %slice3A_613 = vector.extract_strided_slice %dot_general3A_529 {offsets = [896, 128], sizes = [128, 128], strides = [1, 1]} : vector<3072x1024xf32> to vector<128x128xf32>
    %max3A_614 = arith.maximumf %max3A_612, %slice3A_613 : vector<128x128xf32>
    %slice3A_615 = vector.extract_strided_slice %dot_general3A_529 {offsets = [896, 256], sizes = [128, 128], strides = [1, 1]} : vector<3072x1024xf32> to vector<128x128xf32>
    %max3A_616 = arith.maximumf %max3A_614, %slice3A_615 : vector<128x128xf32>
    %slice3A_617 = vector.extract_strided_slice %dot_general3A_529 {offsets = [896, 384], sizes = [128, 128], strides = [1, 1]} : vector<3072x1024xf32> to vector<128x128xf32>
    %max3A_618 = arith.maximumf %max3A_616, %slice3A_617 : vector<128x128xf32>
    %slice3A_619 = vector.extract_strided_slice %dot_general3A_529 {offsets = [896, 512], sizes = [128, 128], strides = [1, 1]} : vector<3072x1024xf32> to vector<128x128xf32>
    %max3A_620 = arith.maximumf %max3A_618, %slice3A_619 : vector<128x128xf32>
    %slice3A_621 = vector.extract_strided_slice %dot_general3A_529 {offsets = [896, 640], sizes = [128, 128], strides = [1, 1]} : vector<3072x1024xf32> to vector<128x128xf32>
    %max3A_622 = arith.maximumf %max3A_620, %slice3A_621 : vector<128x128xf32>
    %slice3A_623 = vector.extract_strided_slice %dot_general3A_529 {offsets = [896, 768], sizes = [128, 128], strides = [1, 1]} : vector<3072x1024xf32> to vector<128x128xf32>
    %max3A_624 = arith.maximumf %max3A_622, %slice3A_623 : vector<128x128xf32>
    %max3A_625 = arith.maximumf %max3A_265, %max3A_624 : vector<128x128xf32>
    %slice3A_626 = vector.extract_strided_slice %dot_general3A_529 {offsets = [1024, 0], sizes = [128, 1024], strides = [1, 1]} : vector<3072x1024xf32> to vector<128x1024xf32>
    %slice3A_627 = vector.extract_strided_slice %slice3A_626 {offsets = [0, 0], sizes = [128, 128], strides = [1, 1]} : vector<128x1024xf32> to vector<128x128xf32>
    %slice3A_628 = vector.extract_strided_slice %slice3A_626 {offsets = [0, 128], sizes = [128, 128], strides = [1, 1]} : vector<128x1024xf32> to vector<128x128xf32>
    %max3A_629 = arith.maximumf %slice3A_627, %slice3A_628 : vector<128x128xf32>
    %slice3A_630 = vector.extract_strided_slice %slice3A_626 {offsets = [0, 256], sizes = [128, 128], strides = [1, 1]} : vector<128x1024xf32> to vector<128x128xf32>
    %max3A_631 = arith.maximumf %max3A_629, %slice3A_630 : vector<128x128xf32>
    %slice3A_632 = vector.extract_strided_slice %slice3A_626 {offsets = [0, 384], sizes = [128, 128], strides = [1, 1]} : vector<128x1024xf32> to vector<128x128xf32>
    %max3A_633 = arith.maximumf %max3A_631, %slice3A_632 : vector<128x128xf32>
    %slice3A_634 = vector.extract_strided_slice %slice3A_626 {offsets = [0, 512], sizes = [128, 128], strides = [1, 1]} : vector<128x1024xf32> to vector<128x128xf32>
    %max3A_635 = arith.maximumf %max3A_633, %slice3A_634 : vector<128x128xf32>
    %slice3A_636 = vector.extract_strided_slice %slice3A_626 {offsets = [0, 640], sizes = [128, 128], strides = [1, 1]} : vector<128x1024xf32> to vector<128x128xf32>
    %max3A_637 = arith.maximumf %max3A_635, %slice3A_636 : vector<128x128xf32>
    %slice3A_638 = vector.extract_strided_slice %slice3A_626 {offsets = [0, 768], sizes = [128, 128], strides = [1, 1]} : vector<128x1024xf32> to vector<128x128xf32>
    %max3A_639 = arith.maximumf %max3A_637, %slice3A_638 : vector<128x128xf32>
    %slice3A_640 = vector.extract_strided_slice %slice3A_626 {offsets = [0, 896], sizes = [128, 128], strides = [1, 1]} : vector<128x1024xf32> to vector<128x128xf32>
    %max3A_641 = arith.maximumf %max3A_639, %slice3A_640 : vector<128x128xf32>
    %max3A_642 = arith.maximumf %max3A_281, %max3A_641 : vector<128x128xf32>
    %slice3A_643 = vector.extract_strided_slice %dot_general3A_529 {offsets = [1152, 0], sizes = [128, 1024], strides = [1, 1]} : vector<3072x1024xf32> to vector<128x1024xf32>
    %slice3A_644 = vector.extract_strided_slice %slice3A_643 {offsets = [0, 0], sizes = [128, 128], strides = [1, 1]} : vector<128x1024xf32> to vector<128x128xf32>
    %slice3A_645 = vector.extract_strided_slice %slice3A_643 {offsets = [0, 128], sizes = [128, 128], strides = [1, 1]} : vector<128x1024xf32> to vector<128x128xf32>
    %max3A_646 = arith.maximumf %slice3A_644, %slice3A_645 : vector<128x128xf32>
    %slice3A_647 = vector.extract_strided_slice %slice3A_643 {offsets = [0, 256], sizes = [128, 128], strides = [1, 1]} : vector<128x1024xf32> to vector<128x128xf32>
    %max3A_648 = arith.maximumf %max3A_646, %slice3A_647 : vector<128x128xf32>
    %slice3A_649 = vector.extract_strided_slice %slice3A_643 {offsets = [0, 384], sizes = [128, 128], strides = [1, 1]} : vector<128x1024xf32> to vector<128x128xf32>
    %max3A_650 = arith.maximumf %max3A_648, %slice3A_649 : vector<128x128xf32>
    %slice3A_651 = vector.extract_strided_slice %slice3A_643 {offsets = [0, 512], sizes = [128, 128], strides = [1, 1]} : vector<128x1024xf32> to vector<128x128xf32>
    %max3A_652 = arith.maximumf %max3A_650, %slice3A_651 : vector<128x128xf32>
    %slice3A_653 = vector.extract_strided_slice %slice3A_643 {offsets = [0, 640], sizes = [128, 128], strides = [1, 1]} : vector<128x1024xf32> to vector<128x128xf32>
    %max3A_654 = arith.maximumf %max3A_652, %slice3A_653 : vector<128x128xf32>
    %slice3A_655 = vector.extract_strided_slice %slice3A_643 {offsets = [0, 768], sizes = [128, 128], strides = [1, 1]} : vector<128x1024xf32> to vector<128x128xf32>
    %max3A_656 = arith.maximumf %max3A_654, %slice3A_655 : vector<128x128xf32>
    %slice3A_657 = vector.extract_strided_slice %slice3A_643 {offsets = [0, 896], sizes = [128, 128], strides = [1, 1]} : vector<128x1024xf32> to vector<128x128xf32>
    %max3A_658 = arith.maximumf %max3A_656, %slice3A_657 : vector<128x128xf32>
    %max3A_659 = arith.maximumf %max3A_297, %max3A_658 : vector<128x128xf32>
    %slice3A_660 = vector.extract_strided_slice %dot_general3A_529 {offsets = [1280, 0], sizes = [128, 1024], strides = [1, 1]} : vector<3072x1024xf32> to vector<128x1024xf32>
    %slice3A_661 = vector.extract_strided_slice %slice3A_660 {offsets = [0, 0], sizes = [128, 128], strides = [1, 1]} : vector<128x1024xf32> to vector<128x128xf32>
    %slice3A_662 = vector.extract_strided_slice %slice3A_660 {offsets = [0, 128], sizes = [128, 128], strides = [1, 1]} : vector<128x1024xf32> to vector<128x128xf32>
    %max3A_663 = arith.maximumf %slice3A_661, %slice3A_662 : vector<128x128xf32>
    %slice3A_664 = vector.extract_strided_slice %slice3A_660 {offsets = [0, 256], sizes = [128, 128], strides = [1, 1]} : vector<128x1024xf32> to vector<128x128xf32>
    %max3A_665 = arith.maximumf %max3A_663, %slice3A_664 : vector<128x128xf32>
    %slice3A_666 = vector.extract_strided_slice %slice3A_660 {offsets = [0, 384], sizes = [128, 128], strides = [1, 1]} : vector<128x1024xf32> to vector<128x128xf32>
    %max3A_667 = arith.maximumf %max3A_665, %slice3A_666 : vector<128x128xf32>
    %slice3A_668 = vector.extract_strided_slice %slice3A_660 {offsets = [0, 512], sizes = [128, 128], strides = [1, 1]} : vector<128x1024xf32> to vector<128x128xf32>
    %max3A_669 = arith.maximumf %max3A_667, %slice3A_668 : vector<128x128xf32>
    %slice3A_670 = vector.extract_strided_slice %slice3A_660 {offsets = [0, 640], sizes = [128, 128], strides = [1, 1]} : vector<128x1024xf32> to vector<128x128xf32>
    %max3A_671 = arith.maximumf %max3A_669, %slice3A_670 : vector<128x128xf32>
    %slice3A_672 = vector.extract_strided_slice %slice3A_660 {offsets = [0, 768], sizes = [128, 128], strides = [1, 1]} : vector<128x1024xf32> to vector<128x128xf32>
    %max3A_673 = arith.maximumf %max3A_671, %slice3A_672 : vector<128x128xf32>
    %slice3A_674 = vector.extract_strided_slice %slice3A_660 {offsets = [0, 896], sizes = [128, 128], strides = [1, 1]} : vector<128x1024xf32> to vector<128x128xf32>
    %max3A_675 = arith.maximumf %max3A_673, %slice3A_674 : vector<128x128xf32>
    %max3A_676 = arith.maximumf %max3A_313, %max3A_675 : vector<128x128xf32>
    %slice3A_677 = vector.extract_strided_slice %dot_general3A_529 {offsets = [1408, 0], sizes = [128, 1024], strides = [1, 1]} : vector<3072x1024xf32> to vector<128x1024xf32>
    %slice3A_678 = vector.extract_strided_slice %slice3A_677 {offsets = [0, 0], sizes = [128, 128], strides = [1, 1]} : vector<128x1024xf32> to vector<128x128xf32>
    %slice3A_679 = vector.extract_strided_slice %slice3A_677 {offsets = [0, 128], sizes = [128, 128], strides = [1, 1]} : vector<128x1024xf32> to vector<128x128xf32>
    %max3A_680 = arith.maximumf %slice3A_678, %slice3A_679 : vector<128x128xf32>
    %slice3A_681 = vector.extract_strided_slice %slice3A_677 {offsets = [0, 256], sizes = [128, 128], strides = [1, 1]} : vector<128x1024xf32> to vector<128x128xf32>
    %max3A_682 = arith.maximumf %max3A_680, %slice3A_681 : vector<128x128xf32>
    %slice3A_683 = vector.extract_strided_slice %slice3A_677 {offsets = [0, 384], sizes = [128, 128], strides = [1, 1]} : vector<128x1024xf32> to vector<128x128xf32>
    %max3A_684 = arith.maximumf %max3A_682, %slice3A_683 : vector<128x128xf32>
    %slice3A_685 = vector.extract_strided_slice %slice3A_677 {offsets = [0, 512], sizes = [128, 128], strides = [1, 1]} : vector<128x1024xf32> to vector<128x128xf32>
    %max3A_686 = arith.maximumf %max3A_684, %slice3A_685 : vector<128x128xf32>
    %slice3A_687 = vector.extract_strided_slice %slice3A_677 {offsets = [0, 640], sizes = [128, 128], strides = [1, 1]} : vector<128x1024xf32> to vector<128x128xf32>
    %max3A_688 = arith.maximumf %max3A_686, %slice3A_687 : vector<128x128xf32>
    %slice3A_689 = vector.extract_strided_slice %slice3A_677 {offsets = [0, 768], sizes = [128, 128], strides = [1, 1]} : vector<128x1024xf32> to vector<128x128xf32>
    %max3A_690 = arith.maximumf %max3A_688, %slice3A_689 : vector<128x128xf32>
    %slice3A_691 = vector.extract_strided_slice %slice3A_677 {offsets = [0, 896], sizes = [128, 128], strides = [1, 1]} : vector<128x1024xf32> to vector<128x128xf32>
    %max3A_692 = arith.maximumf %max3A_690, %slice3A_691 : vector<128x128xf32>
    %max3A_693 = arith.maximumf %max3A_329, %max3A_692 : vector<128x128xf32>
    %slice3A_694 = vector.extract_strided_slice %dot_general3A_529 {offsets = [1536, 0], sizes = [128, 1024], strides = [1, 1]} : vector<3072x1024xf32> to vector<128x1024xf32>
    %slice3A_695 = vector.extract_strided_slice %slice3A_694 {offsets = [0, 0], sizes = [128, 128], strides = [1, 1]} : vector<128x1024xf32> to vector<128x128xf32>
    %slice3A_696 = vector.extract_strided_slice %slice3A_694 {offsets = [0, 128], sizes = [128, 128], strides = [1, 1]} : vector<128x1024xf32> to vector<128x128xf32>
    %max3A_697 = arith.maximumf %slice3A_695, %slice3A_696 : vector<128x128xf32>
    %slice3A_698 = vector.extract_strided_slice %slice3A_694 {offsets = [0, 256], sizes = [128, 128], strides = [1, 1]} : vector<128x1024xf32> to vector<128x128xf32>
    %max3A_699 = arith.maximumf %max3A_697, %slice3A_698 : vector<128x128xf32>
    %slice3A_700 = vector.extract_strided_slice %slice3A_694 {offsets = [0, 384], sizes = [128, 128], strides = [1, 1]} : vector<128x1024xf32> to vector<128x128xf32>
    %max3A_701 = arith.maximumf %max3A_699, %slice3A_700 : vector<128x128xf32>
    %slice3A_702 = vector.extract_strided_slice %slice3A_694 {offsets = [0, 512], sizes = [128, 128], strides = [1, 1]} : vector<128x1024xf32> to vector<128x128xf32>
    %max3A_703 = arith.maximumf %max3A_701, %slice3A_702 : vector<128x128xf32>
    %slice3A_704 = vector.extract_strided_slice %slice3A_694 {offsets = [0, 640], sizes = [128, 128], strides = [1, 1]} : vector<128x1024xf32> to vector<128x128xf32>
    %max3A_705 = arith.maximumf %max3A_703, %slice3A_704 : vector<128x128xf32>
    %slice3A_706 = vector.extract_strided_slice %slice3A_694 {offsets = [0, 768], sizes = [128, 128], strides = [1, 1]} : vector<128x1024xf32> to vector<128x128xf32>
    %max3A_707 = arith.maximumf %max3A_705, %slice3A_706 : vector<128x128xf32>
    %slice3A_708 = vector.extract_strided_slice %slice3A_694 {offsets = [0, 896], sizes = [128, 128], strides = [1, 1]} : vector<128x1024xf32> to vector<128x128xf32>
    %max3A_709 = arith.maximumf %max3A_707, %slice3A_708 : vector<128x128xf32>
    %max3A_710 = arith.maximumf %max3A_345, %max3A_709 : vector<128x128xf32>
    %slice3A_711 = vector.extract_strided_slice %dot_general3A_529 {offsets = [1664, 0], sizes = [128, 1024], strides = [1, 1]} : vector<3072x1024xf32> to vector<128x1024xf32>
    %slice3A_712 = vector.extract_strided_slice %slice3A_711 {offsets = [0, 0], sizes = [128, 128], strides = [1, 1]} : vector<128x1024xf32> to vector<128x128xf32>
    %slice3A_713 = vector.extract_strided_slice %slice3A_711 {offsets = [0, 128], sizes = [128, 128], strides = [1, 1]} : vector<128x1024xf32> to vector<128x128xf32>
    %max3A_714 = arith.maximumf %slice3A_712, %slice3A_713 : vector<128x128xf32>
    %slice3A_715 = vector.extract_strided_slice %slice3A_711 {offsets = [0, 256], sizes = [128, 128], strides = [1, 1]} : vector<128x1024xf32> to vector<128x128xf32>
    %max3A_716 = arith.maximumf %max3A_714, %slice3A_715 : vector<128x128xf32>
    %slice3A_717 = vector.extract_strided_slice %slice3A_711 {offsets = [0, 384], sizes = [128, 128], strides = [1, 1]} : vector<128x1024xf32> to vector<128x128xf32>
    %max3A_718 = arith.maximumf %max3A_716, %slice3A_717 : vector<128x128xf32>
    %slice3A_719 = vector.extract_strided_slice %slice3A_711 {offsets = [0, 512], sizes = [128, 128], strides = [1, 1]} : vector<128x1024xf32> to vector<128x128xf32>
    %max3A_720 = arith.maximumf %max3A_718, %slice3A_719 : vector<128x128xf32>
    %slice3A_721 = vector.extract_strided_slice %slice3A_711 {offsets = [0, 640], sizes = [128, 128], strides = [1, 1]} : vector<128x1024xf32> to vector<128x128xf32>
    %max3A_722 = arith.maximumf %max3A_720, %slice3A_721 : vector<128x128xf32>
    %slice3A_723 = vector.extract_strided_slice %slice3A_711 {offsets = [0, 768], sizes = [128, 128], strides = [1, 1]} : vector<128x1024xf32> to vector<128x128xf32>
    %max3A_724 = arith.maximumf %max3A_722, %slice3A_723 : vector<128x128xf32>
    %slice3A_725 = vector.extract_strided_slice %slice3A_711 {offsets = [0, 896], sizes = [128, 128], strides = [1, 1]} : vector<128x1024xf32> to vector<128x128xf32>
    %max3A_726 = arith.maximumf %max3A_724, %slice3A_725 : vector<128x128xf32>
    %max3A_727 = arith.maximumf %max3A_361, %max3A_726 : vector<128x128xf32>
    %slice3A_728 = vector.extract_strided_slice %dot_general3A_529 {offsets = [1792, 0], sizes = [128, 1024], strides = [1, 1]} : vector<3072x1024xf32> to vector<128x1024xf32>
    %slice3A_729 = vector.extract_strided_slice %slice3A_728 {offsets = [0, 0], sizes = [128, 128], strides = [1, 1]} : vector<128x1024xf32> to vector<128x128xf32>
    %slice3A_730 = vector.extract_strided_slice %slice3A_728 {offsets = [0, 128], sizes = [128, 128], strides = [1, 1]} : vector<128x1024xf32> to vector<128x128xf32>
    %max3A_731 = arith.maximumf %slice3A_729, %slice3A_730 : vector<128x128xf32>
    %slice3A_732 = vector.extract_strided_slice %slice3A_728 {offsets = [0, 256], sizes = [128, 128], strides = [1, 1]} : vector<128x1024xf32> to vector<128x128xf32>
    %max3A_733 = arith.maximumf %max3A_731, %slice3A_732 : vector<128x128xf32>
    %slice3A_734 = vector.extract_strided_slice %slice3A_728 {offsets = [0, 384], sizes = [128, 128], strides = [1, 1]} : vector<128x1024xf32> to vector<128x128xf32>
    %max3A_735 = arith.maximumf %max3A_733, %slice3A_734 : vector<128x128xf32>
    %slice3A_736 = vector.extract_strided_slice %slice3A_728 {offsets = [0, 512], sizes = [128, 128], strides = [1, 1]} : vector<128x1024xf32> to vector<128x128xf32>
    %max3A_737 = arith.maximumf %max3A_735, %slice3A_736 : vector<128x128xf32>
    %slice3A_738 = vector.extract_strided_slice %slice3A_728 {offsets = [0, 640], sizes = [128, 128], strides = [1, 1]} : vector<128x1024xf32> to vector<128x128xf32>
    %max3A_739 = arith.maximumf %max3A_737, %slice3A_738 : vector<128x128xf32>
    %slice3A_740 = vector.extract_strided_slice %slice3A_728 {offsets = [0, 768], sizes = [128, 128], strides = [1, 1]} : vector<128x1024xf32> to vector<128x128xf32>
    %max3A_741 = arith.maximumf %max3A_739, %slice3A_740 : vector<128x128xf32>
    %slice3A_742 = vector.extract_strided_slice %slice3A_728 {offsets = [0, 896], sizes = [128, 128], strides = [1, 1]} : vector<128x1024xf32> to vector<128x128xf32>
    %max3A_743 = arith.maximumf %max3A_741, %slice3A_742 : vector<128x128xf32>
    %max3A_744 = arith.maximumf %max3A_377, %max3A_743 : vector<128x128xf32>
    %slice3A_745 = vector.extract_strided_slice %dot_general3A_529 {offsets = [1920, 0], sizes = [128, 1024], strides = [1, 1]} : vector<3072x1024xf32> to vector<128x1024xf32>
    %slice3A_746 = vector.extract_strided_slice %slice3A_745 {offsets = [0, 0], sizes = [128, 128], strides = [1, 1]} : vector<128x1024xf32> to vector<128x128xf32>
    %slice3A_747 = vector.extract_strided_slice %slice3A_745 {offsets = [0, 128], sizes = [128, 128], strides = [1, 1]} : vector<128x1024xf32> to vector<128x128xf32>
    %max3A_748 = arith.maximumf %slice3A_746, %slice3A_747 : vector<128x128xf32>
    %slice3A_749 = vector.extract_strided_slice %slice3A_745 {offsets = [0, 256], sizes = [128, 128], strides = [1, 1]} : vector<128x1024xf32> to vector<128x128xf32>
    %max3A_750 = arith.maximumf %max3A_748, %slice3A_749 : vector<128x128xf32>
    %slice3A_751 = vector.extract_strided_slice %slice3A_745 {offsets = [0, 384], sizes = [128, 128], strides = [1, 1]} : vector<128x1024xf32> to vector<128x128xf32>
    %max3A_752 = arith.maximumf %max3A_750, %slice3A_751 : vector<128x128xf32>
    %slice3A_753 = vector.extract_strided_slice %slice3A_745 {offsets = [0, 512], sizes = [128, 128], strides = [1, 1]} : vector<128x1024xf32> to vector<128x128xf32>
    %max3A_754 = arith.maximumf %max3A_752, %slice3A_753 : vector<128x128xf32>
    %slice3A_755 = vector.extract_strided_slice %slice3A_745 {offsets = [0, 640], sizes = [128, 128], strides = [1, 1]} : vector<128x1024xf32> to vector<128x128xf32>
    %max3A_756 = arith.maximumf %max3A_754, %slice3A_755 : vector<128x128xf32>
    %slice3A_757 = vector.extract_strided_slice %slice3A_745 {offsets = [0, 768], sizes = [128, 128], strides = [1, 1]} : vector<128x1024xf32> to vector<128x128xf32>
    %max3A_758 = arith.maximumf %max3A_756, %slice3A_757 : vector<128x128xf32>
    %slice3A_759 = vector.extract_strided_slice %slice3A_745 {offsets = [0, 896], sizes = [128, 128], strides = [1, 1]} : vector<128x1024xf32> to vector<128x128xf32>
    %max3A_760 = arith.maximumf %max3A_758, %slice3A_759 : vector<128x128xf32>
    %max3A_761 = arith.maximumf %max3A_393, %max3A_760 : vector<128x128xf32>
    %slice3A_762 = vector.extract_strided_slice %dot_general3A_529 {offsets = [2048, 0], sizes = [128, 1024], strides = [1, 1]} : vector<3072x1024xf32> to vector<128x1024xf32>
    %slice3A_763 = vector.extract_strided_slice %slice3A_762 {offsets = [0, 0], sizes = [128, 128], strides = [1, 1]} : vector<128x1024xf32> to vector<128x128xf32>
    %slice3A_764 = vector.extract_strided_slice %slice3A_762 {offsets = [0, 128], sizes = [128, 128], strides = [1, 1]} : vector<128x1024xf32> to vector<128x128xf32>
    %max3A_765 = arith.maximumf %slice3A_763, %slice3A_764 : vector<128x128xf32>
    %slice3A_766 = vector.extract_strided_slice %slice3A_762 {offsets = [0, 256], sizes = [128, 128], strides = [1, 1]} : vector<128x1024xf32> to vector<128x128xf32>
    %max3A_767 = arith.maximumf %max3A_765, %slice3A_766 : vector<128x128xf32>
    %slice3A_768 = vector.extract_strided_slice %slice3A_762 {offsets = [0, 384], sizes = [128, 128], strides = [1, 1]} : vector<128x1024xf32> to vector<128x128xf32>
    %max3A_769 = arith.maximumf %max3A_767, %slice3A_768 : vector<128x128xf32>
    %slice3A_770 = vector.extract_strided_slice %slice3A_762 {offsets = [0, 512], sizes = [128, 128], strides = [1, 1]} : vector<128x1024xf32> to vector<128x128xf32>
    %max3A_771 = arith.maximumf %max3A_769, %slice3A_770 : vector<128x128xf32>
    %slice3A_772 = vector.extract_strided_slice %slice3A_762 {offsets = [0, 640], sizes = [128, 128], strides = [1, 1]} : vector<128x1024xf32> to vector<128x128xf32>
    %max3A_773 = arith.maximumf %max3A_771, %slice3A_772 : vector<128x128xf32>
    %slice3A_774 = vector.extract_strided_slice %slice3A_762 {offsets = [0, 768], sizes = [128, 128], strides = [1, 1]} : vector<128x1024xf32> to vector<128x128xf32>
    %max3A_775 = arith.maximumf %max3A_773, %slice3A_774 : vector<128x128xf32>
    %slice3A_776 = vector.extract_strided_slice %slice3A_762 {offsets = [0, 896], sizes = [128, 128], strides = [1, 1]} : vector<128x1024xf32> to vector<128x128xf32>
    %max3A_777 = arith.maximumf %max3A_775, %slice3A_776 : vector<128x128xf32>
    %max3A_778 = arith.maximumf %max3A_409, %max3A_777 : vector<128x128xf32>
    %slice3A_779 = vector.extract_strided_slice %dot_general3A_529 {offsets = [2176, 0], sizes = [128, 1024], strides = [1, 1]} : vector<3072x1024xf32> to vector<128x1024xf32>
    %slice3A_780 = vector.extract_strided_slice %slice3A_779 {offsets = [0, 0], sizes = [128, 128], strides = [1, 1]} : vector<128x1024xf32> to vector<128x128xf32>
    %slice3A_781 = vector.extract_strided_slice %slice3A_779 {offsets = [0, 128], sizes = [128, 128], strides = [1, 1]} : vector<128x1024xf32> to vector<128x128xf32>
    %max3A_782 = arith.maximumf %slice3A_780, %slice3A_781 : vector<128x128xf32>
    %slice3A_783 = vector.extract_strided_slice %slice3A_779 {offsets = [0, 256], sizes = [128, 128], strides = [1, 1]} : vector<128x1024xf32> to vector<128x128xf32>
    %max3A_784 = arith.maximumf %max3A_782, %slice3A_783 : vector<128x128xf32>
    %slice3A_785 = vector.extract_strided_slice %slice3A_779 {offsets = [0, 384], sizes = [128, 128], strides = [1, 1]} : vector<128x1024xf32> to vector<128x128xf32>
    %max3A_786 = arith.maximumf %max3A_784, %slice3A_785 : vector<128x128xf32>
    %slice3A_787 = vector.extract_strided_slice %slice3A_779 {offsets = [0, 512], sizes = [128, 128], strides = [1, 1]} : vector<128x1024xf32> to vector<128x128xf32>
    %max3A_788 = arith.maximumf %max3A_786, %slice3A_787 : vector<128x128xf32>
    %slice3A_789 = vector.extract_strided_slice %slice3A_779 {offsets = [0, 640], sizes = [128, 128], strides = [1, 1]} : vector<128x1024xf32> to vector<128x128xf32>
    %max3A_790 = arith.maximumf %max3A_788, %slice3A_789 : vector<128x128xf32>
    %slice3A_791 = vector.extract_strided_slice %slice3A_779 {offsets = [0, 768], sizes = [128, 128], strides = [1, 1]} : vector<128x1024xf32> to vector<128x128xf32>
    %max3A_792 = arith.maximumf %max3A_790, %slice3A_791 : vector<128x128xf32>
    %slice3A_793 = vector.extract_strided_slice %slice3A_779 {offsets = [0, 896], sizes = [128, 128], strides = [1, 1]} : vector<128x1024xf32> to vector<128x128xf32>
    %max3A_794 = arith.maximumf %max3A_792, %slice3A_793 : vector<128x128xf32>
    %max3A_795 = arith.maximumf %max3A_425, %max3A_794 : vector<128x128xf32>
    %slice3A_796 = vector.extract_strided_slice %dot_general3A_529 {offsets = [2304, 0], sizes = [128, 1024], strides = [1, 1]} : vector<3072x1024xf32> to vector<128x1024xf32>
    %slice3A_797 = vector.extract_strided_slice %slice3A_796 {offsets = [0, 0], sizes = [128, 128], strides = [1, 1]} : vector<128x1024xf32> to vector<128x128xf32>
    %slice3A_798 = vector.extract_strided_slice %slice3A_796 {offsets = [0, 128], sizes = [128, 128], strides = [1, 1]} : vector<128x1024xf32> to vector<128x128xf32>
    %max3A_799 = arith.maximumf %slice3A_797, %slice3A_798 : vector<128x128xf32>
    %slice3A_800 = vector.extract_strided_slice %slice3A_796 {offsets = [0, 256], sizes = [128, 128], strides = [1, 1]} : vector<128x1024xf32> to vector<128x128xf32>
    %max3A_801 = arith.maximumf %max3A_799, %slice3A_800 : vector<128x128xf32>
    %slice3A_802 = vector.extract_strided_slice %slice3A_796 {offsets = [0, 384], sizes = [128, 128], strides = [1, 1]} : vector<128x1024xf32> to vector<128x128xf32>
    %max3A_803 = arith.maximumf %max3A_801, %slice3A_802 : vector<128x128xf32>
    %slice3A_804 = vector.extract_strided_slice %slice3A_796 {offsets = [0, 512], sizes = [128, 128], strides = [1, 1]} : vector<128x1024xf32> to vector<128x128xf32>
    %max3A_805 = arith.maximumf %max3A_803, %slice3A_804 : vector<128x128xf32>
    %slice3A_806 = vector.extract_strided_slice %slice3A_796 {offsets = [0, 640], sizes = [128, 128], strides = [1, 1]} : vector<128x1024xf32> to vector<128x128xf32>
    %max3A_807 = arith.maximumf %max3A_805, %slice3A_806 : vector<128x128xf32>
    %slice3A_808 = vector.extract_strided_slice %slice3A_796 {offsets = [0, 768], sizes = [128, 128], strides = [1, 1]} : vector<128x1024xf32> to vector<128x128xf32>
    %max3A_809 = arith.maximumf %max3A_807, %slice3A_808 : vector<128x128xf32>
    %slice3A_810 = vector.extract_strided_slice %slice3A_796 {offsets = [0, 896], sizes = [128, 128], strides = [1, 1]} : vector<128x1024xf32> to vector<128x128xf32>
    %max3A_811 = arith.maximumf %max3A_809, %slice3A_810 : vector<128x128xf32>
    %max3A_812 = arith.maximumf %max3A_441, %max3A_811 : vector<128x128xf32>
    %slice3A_813 = vector.extract_strided_slice %dot_general3A_529 {offsets = [2432, 0], sizes = [128, 1024], strides = [1, 1]} : vector<3072x1024xf32> to vector<128x1024xf32>
    %slice3A_814 = vector.extract_strided_slice %slice3A_813 {offsets = [0, 0], sizes = [128, 128], strides = [1, 1]} : vector<128x1024xf32> to vector<128x128xf32>
    %slice3A_815 = vector.extract_strided_slice %slice3A_813 {offsets = [0, 128], sizes = [128, 128], strides = [1, 1]} : vector<128x1024xf32> to vector<128x128xf32>
    %max3A_816 = arith.maximumf %slice3A_814, %slice3A_815 : vector<128x128xf32>
    %slice3A_817 = vector.extract_strided_slice %slice3A_813 {offsets = [0, 256], sizes = [128, 128], strides = [1, 1]} : vector<128x1024xf32> to vector<128x128xf32>
    %max3A_818 = arith.maximumf %max3A_816, %slice3A_817 : vector<128x128xf32>
    %slice3A_819 = vector.extract_strided_slice %slice3A_813 {offsets = [0, 384], sizes = [128, 128], strides = [1, 1]} : vector<128x1024xf32> to vector<128x128xf32>
    %max3A_820 = arith.maximumf %max3A_818, %slice3A_819 : vector<128x128xf32>
    %slice3A_821 = vector.extract_strided_slice %slice3A_813 {offsets = [0, 512], sizes = [128, 128], strides = [1, 1]} : vector<128x1024xf32> to vector<128x128xf32>
    %max3A_822 = arith.maximumf %max3A_820, %slice3A_821 : vector<128x128xf32>
    %slice3A_823 = vector.extract_strided_slice %slice3A_813 {offsets = [0, 640], sizes = [128, 128], strides = [1, 1]} : vector<128x1024xf32> to vector<128x128xf32>
    %max3A_824 = arith.maximumf %max3A_822, %slice3A_823 : vector<128x128xf32>
    %slice3A_825 = vector.extract_strided_slice %slice3A_813 {offsets = [0, 768], sizes = [128, 128], strides = [1, 1]} : vector<128x1024xf32> to vector<128x128xf32>
    %max3A_826 = arith.maximumf %max3A_824, %slice3A_825 : vector<128x128xf32>
    %slice3A_827 = vector.extract_strided_slice %slice3A_813 {offsets = [0, 896], sizes = [128, 128], strides = [1, 1]} : vector<128x1024xf32> to vector<128x128xf32>
    %max3A_828 = arith.maximumf %max3A_826, %slice3A_827 : vector<128x128xf32>
    %max3A_829 = arith.maximumf %max3A_457, %max3A_828 : vector<128x128xf32>
    %slice3A_830 = vector.extract_strided_slice %dot_general3A_529 {offsets = [2560, 0], sizes = [128, 1024], strides = [1, 1]} : vector<3072x1024xf32> to vector<128x1024xf32>
    %slice3A_831 = vector.extract_strided_slice %slice3A_830 {offsets = [0, 0], sizes = [128, 128], strides = [1, 1]} : vector<128x1024xf32> to vector<128x128xf32>
    %slice3A_832 = vector.extract_strided_slice %slice3A_830 {offsets = [0, 128], sizes = [128, 128], strides = [1, 1]} : vector<128x1024xf32> to vector<128x128xf32>
    %max3A_833 = arith.maximumf %slice3A_831, %slice3A_832 : vector<128x128xf32>
    %slice3A_834 = vector.extract_strided_slice %slice3A_830 {offsets = [0, 256], sizes = [128, 128], strides = [1, 1]} : vector<128x1024xf32> to vector<128x128xf32>
    %max3A_835 = arith.maximumf %max3A_833, %slice3A_834 : vector<128x128xf32>
    %slice3A_836 = vector.extract_strided_slice %slice3A_830 {offsets = [0, 384], sizes = [128, 128], strides = [1, 1]} : vector<128x1024xf32> to vector<128x128xf32>
    %max3A_837 = arith.maximumf %max3A_835, %slice3A_836 : vector<128x128xf32>
    %slice3A_838 = vector.extract_strided_slice %slice3A_830 {offsets = [0, 512], sizes = [128, 128], strides = [1, 1]} : vector<128x1024xf32> to vector<128x128xf32>
    %max3A_839 = arith.maximumf %max3A_837, %slice3A_838 : vector<128x128xf32>
    %slice3A_840 = vector.extract_strided_slice %slice3A_830 {offsets = [0, 640], sizes = [128, 128], strides = [1, 1]} : vector<128x1024xf32> to vector<128x128xf32>
    %max3A_841 = arith.maximumf %max3A_839, %slice3A_840 : vector<128x128xf32>
    %slice3A_842 = vector.extract_strided_slice %slice3A_830 {offsets = [0, 768], sizes = [128, 128], strides = [1, 1]} : vector<128x1024xf32> to vector<128x128xf32>
    %max3A_843 = arith.maximumf %max3A_841, %slice3A_842 : vector<128x128xf32>
    %slice3A_844 = vector.extract_strided_slice %slice3A_830 {offsets = [0, 896], sizes = [128, 128], strides = [1, 1]} : vector<128x1024xf32> to vector<128x128xf32>
    %max3A_845 = arith.maximumf %max3A_843, %slice3A_844 : vector<128x128xf32>
    %max3A_846 = arith.maximumf %max3A_473, %max3A_845 : vector<128x128xf32>
    %slice3A_847 = vector.extract_strided_slice %dot_general3A_529 {offsets = [2688, 0], sizes = [128, 1024], strides = [1, 1]} : vector<3072x1024xf32> to vector<128x1024xf32>
    %slice3A_848 = vector.extract_strided_slice %slice3A_847 {offsets = [0, 0], sizes = [128, 128], strides = [1, 1]} : vector<128x1024xf32> to vector<128x128xf32>
    %slice3A_849 = vector.extract_strided_slice %slice3A_847 {offsets = [0, 128], sizes = [128, 128], strides = [1, 1]} : vector<128x1024xf32> to vector<128x128xf32>
    %max3A_850 = arith.maximumf %slice3A_848, %slice3A_849 : vector<128x128xf32>
    %slice3A_851 = vector.extract_strided_slice %slice3A_847 {offsets = [0, 256], sizes = [128, 128], strides = [1, 1]} : vector<128x1024xf32> to vector<128x128xf32>
    %max3A_852 = arith.maximumf %max3A_850, %slice3A_851 : vector<128x128xf32>
    %slice3A_853 = vector.extract_strided_slice %slice3A_847 {offsets = [0, 384], sizes = [128, 128], strides = [1, 1]} : vector<128x1024xf32> to vector<128x128xf32>
    %max3A_854 = arith.maximumf %max3A_852, %slice3A_853 : vector<128x128xf32>
    %slice3A_855 = vector.extract_strided_slice %slice3A_847 {offsets = [0, 512], sizes = [128, 128], strides = [1, 1]} : vector<128x1024xf32> to vector<128x128xf32>
    %max3A_856 = arith.maximumf %max3A_854, %slice3A_855 : vector<128x128xf32>
    %slice3A_857 = vector.extract_strided_slice %slice3A_847 {offsets = [0, 640], sizes = [128, 128], strides = [1, 1]} : vector<128x1024xf32> to vector<128x128xf32>
    %max3A_858 = arith.maximumf %max3A_856, %slice3A_857 : vector<128x128xf32>
    %slice3A_859 = vector.extract_strided_slice %slice3A_847 {offsets = [0, 768], sizes = [128, 128], strides = [1, 1]} : vector<128x1024xf32> to vector<128x128xf32>
    %max3A_860 = arith.maximumf %max3A_858, %slice3A_859 : vector<128x128xf32>
    %slice3A_861 = vector.extract_strided_slice %slice3A_847 {offsets = [0, 896], sizes = [128, 128], strides = [1, 1]} : vector<128x1024xf32> to vector<128x128xf32>
    %max3A_862 = arith.maximumf %max3A_860, %slice3A_861 : vector<128x128xf32>
    %max3A_863 = arith.maximumf %max3A_489, %max3A_862 : vector<128x128xf32>
    %slice3A_864 = vector.extract_strided_slice %dot_general3A_529 {offsets = [2816, 0], sizes = [128, 1024], strides = [1, 1]} : vector<3072x1024xf32> to vector<128x1024xf32>
    %slice3A_865 = vector.extract_strided_slice %slice3A_864 {offsets = [0, 0], sizes = [128, 128], strides = [1, 1]} : vector<128x1024xf32> to vector<128x128xf32>
    %slice3A_866 = vector.extract_strided_slice %slice3A_864 {offsets = [0, 128], sizes = [128, 128], strides = [1, 1]} : vector<128x1024xf32> to vector<128x128xf32>
    %max3A_867 = arith.maximumf %slice3A_865, %slice3A_866 : vector<128x128xf32>
    %slice3A_868 = vector.extract_strided_slice %slice3A_864 {offsets = [0, 256], sizes = [128, 128], strides = [1, 1]} : vector<128x1024xf32> to vector<128x128xf32>
    %max3A_869 = arith.maximumf %max3A_867, %slice3A_868 : vector<128x128xf32>
    %slice3A_870 = vector.extract_strided_slice %slice3A_864 {offsets = [0, 384], sizes = [128, 128], strides = [1, 1]} : vector<128x1024xf32> to vector<128x128xf32>
    %max3A_871 = arith.maximumf %max3A_869, %slice3A_870 : vector<128x128xf32>
    %slice3A_872 = vector.extract_strided_slice %slice3A_864 {offsets = [0, 512], sizes = [128, 128], strides = [1, 1]} : vector<128x1024xf32> to vector<128x128xf32>
    %max3A_873 = arith.maximumf %max3A_871, %slice3A_872 : vector<128x128xf32>
    %slice3A_874 = vector.extract_strided_slice %slice3A_864 {offsets = [0, 640], sizes = [128, 128], strides = [1, 1]} : vector<128x1024xf32> to vector<128x128xf32>
    %max3A_875 = arith.maximumf %max3A_873, %slice3A_874 : vector<128x128xf32>
    %slice3A_876 = vector.extract_strided_slice %slice3A_864 {offsets = [0, 768], sizes = [128, 128], strides = [1, 1]} : vector<128x1024xf32> to vector<128x128xf32>
    %max3A_877 = arith.maximumf %max3A_875, %slice3A_876 : vector<128x128xf32>
    %slice3A_878 = vector.extract_strided_slice %slice3A_864 {offsets = [0, 896], sizes = [128, 128], strides = [1, 1]} : vector<128x1024xf32> to vector<128x128xf32>
    %max3A_879 = arith.maximumf %max3A_877, %slice3A_878 : vector<128x128xf32>
    %max3A_880 = arith.maximumf %max3A_505, %max3A_879 : vector<128x128xf32>
    %slice3A_881 = vector.extract_strided_slice %dot_general3A_529 {offsets = [2944, 0], sizes = [128, 1024], strides = [1, 1]} : vector<3072x1024xf32> to vector<128x1024xf32>
    %slice3A_882 = vector.extract_strided_slice %slice3A_881 {offsets = [0, 0], sizes = [128, 128], strides = [1, 1]} : vector<128x1024xf32> to vector<128x128xf32>
    %slice3A_883 = vector.extract_strided_slice %slice3A_881 {offsets = [0, 128], sizes = [128, 128], strides = [1, 1]} : vector<128x1024xf32> to vector<128x128xf32>
    %max3A_884 = arith.maximumf %slice3A_882, %slice3A_883 : vector<128x128xf32>
    %slice3A_885 = vector.extract_strided_slice %slice3A_881 {offsets = [0, 256], sizes = [128, 128], strides = [1, 1]} : vector<128x1024xf32> to vector<128x128xf32>
    %max3A_886 = arith.maximumf %max3A_884, %slice3A_885 : vector<128x128xf32>
    %slice3A_887 = vector.extract_strided_slice %slice3A_881 {offsets = [0, 384], sizes = [128, 128], strides = [1, 1]} : vector<128x1024xf32> to vector<128x128xf32>
    %max3A_888 = arith.maximumf %max3A_886, %slice3A_887 : vector<128x128xf32>
    %slice3A_889 = vector.extract_strided_slice %slice3A_881 {offsets = [0, 512], sizes = [128, 128], strides = [1, 1]} : vector<128x1024xf32> to vector<128x128xf32>
    %max3A_890 = arith.maximumf %max3A_888, %slice3A_889 : vector<128x128xf32>
    %slice3A_891 = vector.extract_strided_slice %slice3A_881 {offsets = [0, 640], sizes = [128, 128], strides = [1, 1]} : vector<128x1024xf32> to vector<128x128xf32>
    %max3A_892 = arith.maximumf %max3A_890, %slice3A_891 : vector<128x128xf32>
    %slice3A_893 = vector.extract_strided_slice %slice3A_881 {offsets = [0, 768], sizes = [128, 128], strides = [1, 1]} : vector<128x1024xf32> to vector<128x128xf32>
    %max3A_894 = arith.maximumf %max3A_892, %slice3A_893 : vector<128x128xf32>
    %slice3A_895 = vector.extract_strided_slice %slice3A_881 {offsets = [0, 896], sizes = [128, 128], strides = [1, 1]} : vector<128x1024xf32> to vector<128x128xf32>
    %max3A_896 = arith.maximumf %max3A_894, %slice3A_895 : vector<128x128xf32>
    %max3A_897 = arith.maximumf %max3A_521, %max3A_896 : vector<128x128xf32>
    %get3A_898 = arith.constant 2048 : index
    %get3A_899 = arith.constant 0 : index
    %get3A_900 = vector.load %arg3[%get3A_898, %get3A_899] : memref<4096x136xbf16, #tpu.memory_space<vmem>>, vector<2048x136xbf16>
    %get3A_901 = arith.constant 2048 : index
    %get3A_902 = arith.constant 0 : index
    %get3A_903 = vector.load %arg4[%get3A_901, %get3A_902] : memref<4096x136xbf16, #tpu.memory_space<vmem>>, vector<1024x136xbf16>
    %dot_general3A_904 = arith.constant dense<0.000000e+00> : vector<2048x1024xf32>
    %dot_general3A_905 = tpu.matmul %get3A_900, %get3A_903, %dot_general3A_904 {dimension_numbers = #tpu.dot_dimension_numbers<[1], [1], [0], [0], [0, 0, 1, 0], [], []>, transpose_lhs_hint = false} : vector<2048x136xbf16>, vector<1024x136xbf16>, vector<2048x1024xf32> -> vector<2048x1024xf32>
    %slice3A_906 = vector.extract_strided_slice %dot_general3A_905 {offsets = [0, 0], sizes = [128, 128], strides = [1, 1]} : vector<2048x1024xf32> to vector<128x128xf32>
    %jit3A_907 = arith.constant -3.000000e+09 : f32
    %broadcast_in_dim3A_908 = vector.broadcast %jit3A_907 : f32 to vector<128x128xf32>
    %select_n3A_909 = arith.select %le3A, %slice3A_906, %broadcast_in_dim3A_908 : vector<128x128xi1>, vector<128x128xf32>
    %max3A_910 = arith.maximumf %max3A_642, %select_n3A_909 : vector<128x128xf32>
    %slice3A_911 = vector.extract_strided_slice %dot_general3A_905 {offsets = [128, 128], sizes = [128, 128], strides = [1, 1]} : vector<2048x1024xf32> to vector<128x128xf32>
    %jit3A_912 = arith.constant -3.000000e+09 : f32
    %broadcast_in_dim3A_913 = vector.broadcast %jit3A_912 : f32 to vector<128x128xf32>
    %select_n3A_914 = arith.select %le3A, %slice3A_911, %broadcast_in_dim3A_913 : vector<128x128xi1>, vector<128x128xf32>
    %slice3A_915 = vector.extract_strided_slice %dot_general3A_905 {offsets = [128, 0], sizes = [128, 128], strides = [1, 1]} : vector<2048x1024xf32> to vector<128x128xf32>
    %max3A_916 = arith.maximumf %select_n3A_914, %slice3A_915 : vector<128x128xf32>
    %max3A_917 = arith.maximumf %max3A_659, %max3A_916 : vector<128x128xf32>
    %slice3A_918 = vector.extract_strided_slice %dot_general3A_905 {offsets = [256, 256], sizes = [128, 128], strides = [1, 1]} : vector<2048x1024xf32> to vector<128x128xf32>
    %jit3A_919 = arith.constant -3.000000e+09 : f32
    %broadcast_in_dim3A_920 = vector.broadcast %jit3A_919 : f32 to vector<128x128xf32>
    %select_n3A_921 = arith.select %le3A, %slice3A_918, %broadcast_in_dim3A_920 : vector<128x128xi1>, vector<128x128xf32>
    %slice3A_922 = vector.extract_strided_slice %dot_general3A_905 {offsets = [256, 0], sizes = [128, 128], strides = [1, 1]} : vector<2048x1024xf32> to vector<128x128xf32>
    %max3A_923 = arith.maximumf %select_n3A_921, %slice3A_922 : vector<128x128xf32>
    %slice3A_924 = vector.extract_strided_slice %dot_general3A_905 {offsets = [256, 128], sizes = [128, 128], strides = [1, 1]} : vector<2048x1024xf32> to vector<128x128xf32>
    %max3A_925 = arith.maximumf %max3A_923, %slice3A_924 : vector<128x128xf32>
    %max3A_926 = arith.maximumf %max3A_676, %max3A_925 : vector<128x128xf32>
    %slice3A_927 = vector.extract_strided_slice %dot_general3A_905 {offsets = [384, 384], sizes = [128, 128], strides = [1, 1]} : vector<2048x1024xf32> to vector<128x128xf32>
    %jit3A_928 = arith.constant -3.000000e+09 : f32
    %broadcast_in_dim3A_929 = vector.broadcast %jit3A_928 : f32 to vector<128x128xf32>
    %select_n3A_930 = arith.select %le3A, %slice3A_927, %broadcast_in_dim3A_929 : vector<128x128xi1>, vector<128x128xf32>
    %slice3A_931 = vector.extract_strided_slice %dot_general3A_905 {offsets = [384, 0], sizes = [128, 128], strides = [1, 1]} : vector<2048x1024xf32> to vector<128x128xf32>
    %max3A_932 = arith.maximumf %select_n3A_930, %slice3A_931 : vector<128x128xf32>
    %slice3A_933 = vector.extract_strided_slice %dot_general3A_905 {offsets = [384, 128], sizes = [128, 128], strides = [1, 1]} : vector<2048x1024xf32> to vector<128x128xf32>
    %max3A_934 = arith.maximumf %max3A_932, %slice3A_933 : vector<128x128xf32>
    %slice3A_935 = vector.extract_strided_slice %dot_general3A_905 {offsets = [384, 256], sizes = [128, 128], strides = [1, 1]} : vector<2048x1024xf32> to vector<128x128xf32>
    %max3A_936 = arith.maximumf %max3A_934, %slice3A_935 : vector<128x128xf32>
    %max3A_937 = arith.maximumf %max3A_693, %max3A_936 : vector<128x128xf32>
    %slice3A_938 = vector.extract_strided_slice %dot_general3A_905 {offsets = [512, 512], sizes = [128, 128], strides = [1, 1]} : vector<2048x1024xf32> to vector<128x128xf32>
    %jit3A_939 = arith.constant -3.000000e+09 : f32
    %broadcast_in_dim3A_940 = vector.broadcast %jit3A_939 : f32 to vector<128x128xf32>
    %select_n3A_941 = arith.select %le3A, %slice3A_938, %broadcast_in_dim3A_940 : vector<128x128xi1>, vector<128x128xf32>
    %slice3A_942 = vector.extract_strided_slice %dot_general3A_905 {offsets = [512, 0], sizes = [128, 128], strides = [1, 1]} : vector<2048x1024xf32> to vector<128x128xf32>
    %max3A_943 = arith.maximumf %select_n3A_941, %slice3A_942 : vector<128x128xf32>
    %slice3A_944 = vector.extract_strided_slice %dot_general3A_905 {offsets = [512, 128], sizes = [128, 128], strides = [1, 1]} : vector<2048x1024xf32> to vector<128x128xf32>
    %max3A_945 = arith.maximumf %max3A_943, %slice3A_944 : vector<128x128xf32>
    %slice3A_946 = vector.extract_strided_slice %dot_general3A_905 {offsets = [512, 256], sizes = [128, 128], strides = [1, 1]} : vector<2048x1024xf32> to vector<128x128xf32>
    %max3A_947 = arith.maximumf %max3A_945, %slice3A_946 : vector<128x128xf32>
    %slice3A_948 = vector.extract_strided_slice %dot_general3A_905 {offsets = [512, 384], sizes = [128, 128], strides = [1, 1]} : vector<2048x1024xf32> to vector<128x128xf32>
    %max3A_949 = arith.maximumf %max3A_947, %slice3A_948 : vector<128x128xf32>
    %max3A_950 = arith.maximumf %max3A_710, %max3A_949 : vector<128x128xf32>
    %slice3A_951 = vector.extract_strided_slice %dot_general3A_905 {offsets = [640, 640], sizes = [128, 128], strides = [1, 1]} : vector<2048x1024xf32> to vector<128x128xf32>
    %jit3A_952 = arith.constant -3.000000e+09 : f32
    %broadcast_in_dim3A_953 = vector.broadcast %jit3A_952 : f32 to vector<128x128xf32>
    %select_n3A_954 = arith.select %le3A, %slice3A_951, %broadcast_in_dim3A_953 : vector<128x128xi1>, vector<128x128xf32>
    %slice3A_955 = vector.extract_strided_slice %dot_general3A_905 {offsets = [640, 0], sizes = [128, 128], strides = [1, 1]} : vector<2048x1024xf32> to vector<128x128xf32>
    %max3A_956 = arith.maximumf %select_n3A_954, %slice3A_955 : vector<128x128xf32>
    %slice3A_957 = vector.extract_strided_slice %dot_general3A_905 {offsets = [640, 128], sizes = [128, 128], strides = [1, 1]} : vector<2048x1024xf32> to vector<128x128xf32>
    %max3A_958 = arith.maximumf %max3A_956, %slice3A_957 : vector<128x128xf32>
    %slice3A_959 = vector.extract_strided_slice %dot_general3A_905 {offsets = [640, 256], sizes = [128, 128], strides = [1, 1]} : vector<2048x1024xf32> to vector<128x128xf32>
    %max3A_960 = arith.maximumf %max3A_958, %slice3A_959 : vector<128x128xf32>
    %slice3A_961 = vector.extract_strided_slice %dot_general3A_905 {offsets = [640, 384], sizes = [128, 128], strides = [1, 1]} : vector<2048x1024xf32> to vector<128x128xf32>
    %max3A_962 = arith.maximumf %max3A_960, %slice3A_961 : vector<128x128xf32>
    %slice3A_963 = vector.extract_strided_slice %dot_general3A_905 {offsets = [640, 512], sizes = [128, 128], strides = [1, 1]} : vector<2048x1024xf32> to vector<128x128xf32>
    %max3A_964 = arith.maximumf %max3A_962, %slice3A_963 : vector<128x128xf32>
    %max3A_965 = arith.maximumf %max3A_727, %max3A_964 : vector<128x128xf32>
    %slice3A_966 = vector.extract_strided_slice %dot_general3A_905 {offsets = [768, 768], sizes = [128, 128], strides = [1, 1]} : vector<2048x1024xf32> to vector<128x128xf32>
    %jit3A_967 = arith.constant -3.000000e+09 : f32
    %broadcast_in_dim3A_968 = vector.broadcast %jit3A_967 : f32 to vector<128x128xf32>
    %select_n3A_969 = arith.select %le3A, %slice3A_966, %broadcast_in_dim3A_968 : vector<128x128xi1>, vector<128x128xf32>
    %slice3A_970 = vector.extract_strided_slice %dot_general3A_905 {offsets = [768, 0], sizes = [128, 128], strides = [1, 1]} : vector<2048x1024xf32> to vector<128x128xf32>
    %max3A_971 = arith.maximumf %select_n3A_969, %slice3A_970 : vector<128x128xf32>
    %slice3A_972 = vector.extract_strided_slice %dot_general3A_905 {offsets = [768, 128], sizes = [128, 128], strides = [1, 1]} : vector<2048x1024xf32> to vector<128x128xf32>
    %max3A_973 = arith.maximumf %max3A_971, %slice3A_972 : vector<128x128xf32>
    %slice3A_974 = vector.extract_strided_slice %dot_general3A_905 {offsets = [768, 256], sizes = [128, 128], strides = [1, 1]} : vector<2048x1024xf32> to vector<128x128xf32>
    %max3A_975 = arith.maximumf %max3A_973, %slice3A_974 : vector<128x128xf32>
    %slice3A_976 = vector.extract_strided_slice %dot_general3A_905 {offsets = [768, 384], sizes = [128, 128], strides = [1, 1]} : vector<2048x1024xf32> to vector<128x128xf32>
    %max3A_977 = arith.maximumf %max3A_975, %slice3A_976 : vector<128x128xf32>
    %slice3A_978 = vector.extract_strided_slice %dot_general3A_905 {offsets = [768, 512], sizes = [128, 128], strides = [1, 1]} : vector<2048x1024xf32> to vector<128x128xf32>
    %max3A_979 = arith.maximumf %max3A_977, %slice3A_978 : vector<128x128xf32>
    %slice3A_980 = vector.extract_strided_slice %dot_general3A_905 {offsets = [768, 640], sizes = [128, 128], strides = [1, 1]} : vector<2048x1024xf32> to vector<128x128xf32>
    %max3A_981 = arith.maximumf %max3A_979, %slice3A_980 : vector<128x128xf32>
    %max3A_982 = arith.maximumf %max3A_744, %max3A_981 : vector<128x128xf32>
    %slice3A_983 = vector.extract_strided_slice %dot_general3A_905 {offsets = [896, 896], sizes = [128, 128], strides = [1, 1]} : vector<2048x1024xf32> to vector<128x128xf32>
    %jit3A_984 = arith.constant -3.000000e+09 : f32
    %broadcast_in_dim3A_985 = vector.broadcast %jit3A_984 : f32 to vector<128x128xf32>
    %select_n3A_986 = arith.select %le3A, %slice3A_983, %broadcast_in_dim3A_985 : vector<128x128xi1>, vector<128x128xf32>
    %slice3A_987 = vector.extract_strided_slice %dot_general3A_905 {offsets = [896, 0], sizes = [128, 128], strides = [1, 1]} : vector<2048x1024xf32> to vector<128x128xf32>
    %max3A_988 = arith.maximumf %select_n3A_986, %slice3A_987 : vector<128x128xf32>
    %slice3A_989 = vector.extract_strided_slice %dot_general3A_905 {offsets = [896, 128], sizes = [128, 128], strides = [1, 1]} : vector<2048x1024xf32> to vector<128x128xf32>
    %max3A_990 = arith.maximumf %max3A_988, %slice3A_989 : vector<128x128xf32>
    %slice3A_991 = vector.extract_strided_slice %dot_general3A_905 {offsets = [896, 256], sizes = [128, 128], strides = [1, 1]} : vector<2048x1024xf32> to vector<128x128xf32>
    %max3A_992 = arith.maximumf %max3A_990, %slice3A_991 : vector<128x128xf32>
    %slice3A_993 = vector.extract_strided_slice %dot_general3A_905 {offsets = [896, 384], sizes = [128, 128], strides = [1, 1]} : vector<2048x1024xf32> to vector<128x128xf32>
    %max3A_994 = arith.maximumf %max3A_992, %slice3A_993 : vector<128x128xf32>
    %slice3A_995 = vector.extract_strided_slice %dot_general3A_905 {offsets = [896, 512], sizes = [128, 128], strides = [1, 1]} : vector<2048x1024xf32> to vector<128x128xf32>
    %max3A_996 = arith.maximumf %max3A_994, %slice3A_995 : vector<128x128xf32>
    %slice3A_997 = vector.extract_strided_slice %dot_general3A_905 {offsets = [896, 640], sizes = [128, 128], strides = [1, 1]} : vector<2048x1024xf32> to vector<128x128xf32>
    %max3A_998 = arith.maximumf %max3A_996, %slice3A_997 : vector<128x128xf32>
    %slice3A_999 = vector.extract_strided_slice %dot_general3A_905 {offsets = [896, 768], sizes = [128, 128], strides = [1, 1]} : vector<2048x1024xf32> to vector<128x128xf32>
    %max3A_1000 = arith.maximumf %max3A_998, %slice3A_999 : vector<128x128xf32>
    %max3A_1001 = arith.maximumf %max3A_761, %max3A_1000 : vector<128x128xf32>
    %slice3A_1002 = vector.extract_strided_slice %dot_general3A_905 {offsets = [1024, 0], sizes = [128, 1024], strides = [1, 1]} : vector<2048x1024xf32> to vector<128x1024xf32>
    %slice3A_1003 = vector.extract_strided_slice %slice3A_1002 {offsets = [0, 0], sizes = [128, 128], strides = [1, 1]} : vector<128x1024xf32> to vector<128x128xf32>
    %slice3A_1004 = vector.extract_strided_slice %slice3A_1002 {offsets = [0, 128], sizes = [128, 128], strides = [1, 1]} : vector<128x1024xf32> to vector<128x128xf32>
    %max3A_1005 = arith.maximumf %slice3A_1003, %slice3A_1004 : vector<128x128xf32>
    %slice3A_1006 = vector.extract_strided_slice %slice3A_1002 {offsets = [0, 256], sizes = [128, 128], strides = [1, 1]} : vector<128x1024xf32> to vector<128x128xf32>
    %max3A_1007 = arith.maximumf %max3A_1005, %slice3A_1006 : vector<128x128xf32>
    %slice3A_1008 = vector.extract_strided_slice %slice3A_1002 {offsets = [0, 384], sizes = [128, 128], strides = [1, 1]} : vector<128x1024xf32> to vector<128x128xf32>
    %max3A_1009 = arith.maximumf %max3A_1007, %slice3A_1008 : vector<128x128xf32>
    %slice3A_1010 = vector.extract_strided_slice %slice3A_1002 {offsets = [0, 512], sizes = [128, 128], strides = [1, 1]} : vector<128x1024xf32> to vector<128x128xf32>
    %max3A_1011 = arith.maximumf %max3A_1009, %slice3A_1010 : vector<128x128xf32>
    %slice3A_1012 = vector.extract_strided_slice %slice3A_1002 {offsets = [0, 640], sizes = [128, 128], strides = [1, 1]} : vector<128x1024xf32> to vector<128x128xf32>
    %max3A_1013 = arith.maximumf %max3A_1011, %slice3A_1012 : vector<128x128xf32>
    %slice3A_1014 = vector.extract_strided_slice %slice3A_1002 {offsets = [0, 768], sizes = [128, 128], strides = [1, 1]} : vector<128x1024xf32> to vector<128x128xf32>
    %max3A_1015 = arith.maximumf %max3A_1013, %slice3A_1014 : vector<128x128xf32>
    %slice3A_1016 = vector.extract_strided_slice %slice3A_1002 {offsets = [0, 896], sizes = [128, 128], strides = [1, 1]} : vector<128x1024xf32> to vector<128x128xf32>
    %max3A_1017 = arith.maximumf %max3A_1015, %slice3A_1016 : vector<128x128xf32>
    %max3A_1018 = arith.maximumf %max3A_778, %max3A_1017 : vector<128x128xf32>
    %slice3A_1019 = vector.extract_strided_slice %dot_general3A_905 {offsets = [1152, 0], sizes = [128, 1024], strides = [1, 1]} : vector<2048x1024xf32> to vector<128x1024xf32>
    %slice3A_1020 = vector.extract_strided_slice %slice3A_1019 {offsets = [0, 0], sizes = [128, 128], strides = [1, 1]} : vector<128x1024xf32> to vector<128x128xf32>
    %slice3A_1021 = vector.extract_strided_slice %slice3A_1019 {offsets = [0, 128], sizes = [128, 128], strides = [1, 1]} : vector<128x1024xf32> to vector<128x128xf32>
    %max3A_1022 = arith.maximumf %slice3A_1020, %slice3A_1021 : vector<128x128xf32>
    %slice3A_1023 = vector.extract_strided_slice %slice3A_1019 {offsets = [0, 256], sizes = [128, 128], strides = [1, 1]} : vector<128x1024xf32> to vector<128x128xf32>
    %max3A_1024 = arith.maximumf %max3A_1022, %slice3A_1023 : vector<128x128xf32>
    %slice3A_1025 = vector.extract_strided_slice %slice3A_1019 {offsets = [0, 384], sizes = [128, 128], strides = [1, 1]} : vector<128x1024xf32> to vector<128x128xf32>
    %max3A_1026 = arith.maximumf %max3A_1024, %slice3A_1025 : vector<128x128xf32>
    %slice3A_1027 = vector.extract_strided_slice %slice3A_1019 {offsets = [0, 512], sizes = [128, 128], strides = [1, 1]} : vector<128x1024xf32> to vector<128x128xf32>
    %max3A_1028 = arith.maximumf %max3A_1026, %slice3A_1027 : vector<128x128xf32>
    %slice3A_1029 = vector.extract_strided_slice %slice3A_1019 {offsets = [0, 640], sizes = [128, 128], strides = [1, 1]} : vector<128x1024xf32> to vector<128x128xf32>
    %max3A_1030 = arith.maximumf %max3A_1028, %slice3A_1029 : vector<128x128xf32>
    %slice3A_1031 = vector.extract_strided_slice %slice3A_1019 {offsets = [0, 768], sizes = [128, 128], strides = [1, 1]} : vector<128x1024xf32> to vector<128x128xf32>
    %max3A_1032 = arith.maximumf %max3A_1030, %slice3A_1031 : vector<128x128xf32>
    %slice3A_1033 = vector.extract_strided_slice %slice3A_1019 {offsets = [0, 896], sizes = [128, 128], strides = [1, 1]} : vector<128x1024xf32> to vector<128x128xf32>
    %max3A_1034 = arith.maximumf %max3A_1032, %slice3A_1033 : vector<128x128xf32>
    %max3A_1035 = arith.maximumf %max3A_795, %max3A_1034 : vector<128x128xf32>
    %slice3A_1036 = vector.extract_strided_slice %dot_general3A_905 {offsets = [1280, 0], sizes = [128, 1024], strides = [1, 1]} : vector<2048x1024xf32> to vector<128x1024xf32>
    %slice3A_1037 = vector.extract_strided_slice %slice3A_1036 {offsets = [0, 0], sizes = [128, 128], strides = [1, 1]} : vector<128x1024xf32> to vector<128x128xf32>
    %slice3A_1038 = vector.extract_strided_slice %slice3A_1036 {offsets = [0, 128], sizes = [128, 128], strides = [1, 1]} : vector<128x1024xf32> to vector<128x128xf32>
    %max3A_1039 = arith.maximumf %slice3A_1037, %slice3A_1038 : vector<128x128xf32>
    %slice3A_1040 = vector.extract_strided_slice %slice3A_1036 {offsets = [0, 256], sizes = [128, 128], strides = [1, 1]} : vector<128x1024xf32> to vector<128x128xf32>
    %max3A_1041 = arith.maximumf %max3A_1039, %slice3A_1040 : vector<128x128xf32>
    %slice3A_1042 = vector.extract_strided_slice %slice3A_1036 {offsets = [0, 384], sizes = [128, 128], strides = [1, 1]} : vector<128x1024xf32> to vector<128x128xf32>
    %max3A_1043 = arith.maximumf %max3A_1041, %slice3A_1042 : vector<128x128xf32>
    %slice3A_1044 = vector.extract_strided_slice %slice3A_1036 {offsets = [0, 512], sizes = [128, 128], strides = [1, 1]} : vector<128x1024xf32> to vector<128x128xf32>
    %max3A_1045 = arith.maximumf %max3A_1043, %slice3A_1044 : vector<128x128xf32>
    %slice3A_1046 = vector.extract_strided_slice %slice3A_1036 {offsets = [0, 640], sizes = [128, 128], strides = [1, 1]} : vector<128x1024xf32> to vector<128x128xf32>
    %max3A_1047 = arith.maximumf %max3A_1045, %slice3A_1046 : vector<128x128xf32>
    %slice3A_1048 = vector.extract_strided_slice %slice3A_1036 {offsets = [0, 768], sizes = [128, 128], strides = [1, 1]} : vector<128x1024xf32> to vector<128x128xf32>
    %max3A_1049 = arith.maximumf %max3A_1047, %slice3A_1048 : vector<128x128xf32>
    %slice3A_1050 = vector.extract_strided_slice %slice3A_1036 {offsets = [0, 896], sizes = [128, 128], strides = [1, 1]} : vector<128x1024xf32> to vector<128x128xf32>
    %max3A_1051 = arith.maximumf %max3A_1049, %slice3A_1050 : vector<128x128xf32>
    %max3A_1052 = arith.maximumf %max3A_812, %max3A_1051 : vector<128x128xf32>
    %slice3A_1053 = vector.extract_strided_slice %dot_general3A_905 {offsets = [1408, 0], sizes = [128, 1024], strides = [1, 1]} : vector<2048x1024xf32> to vector<128x1024xf32>
    %slice3A_1054 = vector.extract_strided_slice %slice3A_1053 {offsets = [0, 0], sizes = [128, 128], strides = [1, 1]} : vector<128x1024xf32> to vector<128x128xf32>
    %slice3A_1055 = vector.extract_strided_slice %slice3A_1053 {offsets = [0, 128], sizes = [128, 128], strides = [1, 1]} : vector<128x1024xf32> to vector<128x128xf32>
    %max3A_1056 = arith.maximumf %slice3A_1054, %slice3A_1055 : vector<128x128xf32>
    %slice3A_1057 = vector.extract_strided_slice %slice3A_1053 {offsets = [0, 256], sizes = [128, 128], strides = [1, 1]} : vector<128x1024xf32> to vector<128x128xf32>
    %max3A_1058 = arith.maximumf %max3A_1056, %slice3A_1057 : vector<128x128xf32>
    %slice3A_1059 = vector.extract_strided_slice %slice3A_1053 {offsets = [0, 384], sizes = [128, 128], strides = [1, 1]} : vector<128x1024xf32> to vector<128x128xf32>
    %max3A_1060 = arith.maximumf %max3A_1058, %slice3A_1059 : vector<128x128xf32>
    %slice3A_1061 = vector.extract_strided_slice %slice3A_1053 {offsets = [0, 512], sizes = [128, 128], strides = [1, 1]} : vector<128x1024xf32> to vector<128x128xf32>
    %max3A_1062 = arith.maximumf %max3A_1060, %slice3A_1061 : vector<128x128xf32>
    %slice3A_1063 = vector.extract_strided_slice %slice3A_1053 {offsets = [0, 640], sizes = [128, 128], strides = [1, 1]} : vector<128x1024xf32> to vector<128x128xf32>
    %max3A_1064 = arith.maximumf %max3A_1062, %slice3A_1063 : vector<128x128xf32>
    %slice3A_1065 = vector.extract_strided_slice %slice3A_1053 {offsets = [0, 768], sizes = [128, 128], strides = [1, 1]} : vector<128x1024xf32> to vector<128x128xf32>
    %max3A_1066 = arith.maximumf %max3A_1064, %slice3A_1065 : vector<128x128xf32>
    %slice3A_1067 = vector.extract_strided_slice %slice3A_1053 {offsets = [0, 896], sizes = [128, 128], strides = [1, 1]} : vector<128x1024xf32> to vector<128x128xf32>
    %max3A_1068 = arith.maximumf %max3A_1066, %slice3A_1067 : vector<128x128xf32>
    %max3A_1069 = arith.maximumf %max3A_829, %max3A_1068 : vector<128x128xf32>
    %slice3A_1070 = vector.extract_strided_slice %dot_general3A_905 {offsets = [1536, 0], sizes = [128, 1024], strides = [1, 1]} : vector<2048x1024xf32> to vector<128x1024xf32>
    %slice3A_1071 = vector.extract_strided_slice %slice3A_1070 {offsets = [0, 0], sizes = [128, 128], strides = [1, 1]} : vector<128x1024xf32> to vector<128x128xf32>
    %slice3A_1072 = vector.extract_strided_slice %slice3A_1070 {offsets = [0, 128], sizes = [128, 128], strides = [1, 1]} : vector<128x1024xf32> to vector<128x128xf32>
    %max3A_1073 = arith.maximumf %slice3A_1071, %slice3A_1072 : vector<128x128xf32>
    %slice3A_1074 = vector.extract_strided_slice %slice3A_1070 {offsets = [0, 256], sizes = [128, 128], strides = [1, 1]} : vector<128x1024xf32> to vector<128x128xf32>
    %max3A_1075 = arith.maximumf %max3A_1073, %slice3A_1074 : vector<128x128xf32>
    %slice3A_1076 = vector.extract_strided_slice %slice3A_1070 {offsets = [0, 384], sizes = [128, 128], strides = [1, 1]} : vector<128x1024xf32> to vector<128x128xf32>
    %max3A_1077 = arith.maximumf %max3A_1075, %slice3A_1076 : vector<128x128xf32>
    %slice3A_1078 = vector.extract_strided_slice %slice3A_1070 {offsets = [0, 512], sizes = [128, 128], strides = [1, 1]} : vector<128x1024xf32> to vector<128x128xf32>
    %max3A_1079 = arith.maximumf %max3A_1077, %slice3A_1078 : vector<128x128xf32>
    %slice3A_1080 = vector.extract_strided_slice %slice3A_1070 {offsets = [0, 640], sizes = [128, 128], strides = [1, 1]} : vector<128x1024xf32> to vector<128x128xf32>
    %max3A_1081 = arith.maximumf %max3A_1079, %slice3A_1080 : vector<128x128xf32>
    %slice3A_1082 = vector.extract_strided_slice %slice3A_1070 {offsets = [0, 768], sizes = [128, 128], strides = [1, 1]} : vector<128x1024xf32> to vector<128x128xf32>
    %max3A_1083 = arith.maximumf %max3A_1081, %slice3A_1082 : vector<128x128xf32>
    %slice3A_1084 = vector.extract_strided_slice %slice3A_1070 {offsets = [0, 896], sizes = [128, 128], strides = [1, 1]} : vector<128x1024xf32> to vector<128x128xf32>
    %max3A_1085 = arith.maximumf %max3A_1083, %slice3A_1084 : vector<128x128xf32>
    %max3A_1086 = arith.maximumf %max3A_846, %max3A_1085 : vector<128x128xf32>
    %slice3A_1087 = vector.extract_strided_slice %dot_general3A_905 {offsets = [1664, 0], sizes = [128, 1024], strides = [1, 1]} : vector<2048x1024xf32> to vector<128x1024xf32>
    %slice3A_1088 = vector.extract_strided_slice %slice3A_1087 {offsets = [0, 0], sizes = [128, 128], strides = [1, 1]} : vector<128x1024xf32> to vector<128x128xf32>
    %slice3A_1089 = vector.extract_strided_slice %slice3A_1087 {offsets = [0, 128], sizes = [128, 128], strides = [1, 1]} : vector<128x1024xf32> to vector<128x128xf32>
    %max3A_1090 = arith.maximumf %slice3A_1088, %slice3A_1089 : vector<128x128xf32>
    %slice3A_1091 = vector.extract_strided_slice %slice3A_1087 {offsets = [0, 256], sizes = [128, 128], strides = [1, 1]} : vector<128x1024xf32> to vector<128x128xf32>
    %max3A_1092 = arith.maximumf %max3A_1090, %slice3A_1091 : vector<128x128xf32>
    %slice3A_1093 = vector.extract_strided_slice %slice3A_1087 {offsets = [0, 384], sizes = [128, 128], strides = [1, 1]} : vector<128x1024xf32> to vector<128x128xf32>
    %max3A_1094 = arith.maximumf %max3A_1092, %slice3A_1093 : vector<128x128xf32>
    %slice3A_1095 = vector.extract_strided_slice %slice3A_1087 {offsets = [0, 512], sizes = [128, 128], strides = [1, 1]} : vector<128x1024xf32> to vector<128x128xf32>
    %max3A_1096 = arith.maximumf %max3A_1094, %slice3A_1095 : vector<128x128xf32>
    %slice3A_1097 = vector.extract_strided_slice %slice3A_1087 {offsets = [0, 640], sizes = [128, 128], strides = [1, 1]} : vector<128x1024xf32> to vector<128x128xf32>
    %max3A_1098 = arith.maximumf %max3A_1096, %slice3A_1097 : vector<128x128xf32>
    %slice3A_1099 = vector.extract_strided_slice %slice3A_1087 {offsets = [0, 768], sizes = [128, 128], strides = [1, 1]} : vector<128x1024xf32> to vector<128x128xf32>
    %max3A_1100 = arith.maximumf %max3A_1098, %slice3A_1099 : vector<128x128xf32>
    %slice3A_1101 = vector.extract_strided_slice %slice3A_1087 {offsets = [0, 896], sizes = [128, 128], strides = [1, 1]} : vector<128x1024xf32> to vector<128x128xf32>
    %max3A_1102 = arith.maximumf %max3A_1100, %slice3A_1101 : vector<128x128xf32>
    %max3A_1103 = arith.maximumf %max3A_863, %max3A_1102 : vector<128x128xf32>
    %slice3A_1104 = vector.extract_strided_slice %dot_general3A_905 {offsets = [1792, 0], sizes = [128, 1024], strides = [1, 1]} : vector<2048x1024xf32> to vector<128x1024xf32>
    %slice3A_1105 = vector.extract_strided_slice %slice3A_1104 {offsets = [0, 0], sizes = [128, 128], strides = [1, 1]} : vector<128x1024xf32> to vector<128x128xf32>
    %slice3A_1106 = vector.extract_strided_slice %slice3A_1104 {offsets = [0, 128], sizes = [128, 128], strides = [1, 1]} : vector<128x1024xf32> to vector<128x128xf32>
    %max3A_1107 = arith.maximumf %slice3A_1105, %slice3A_1106 : vector<128x128xf32>
    %slice3A_1108 = vector.extract_strided_slice %slice3A_1104 {offsets = [0, 256], sizes = [128, 128], strides = [1, 1]} : vector<128x1024xf32> to vector<128x128xf32>
    %max3A_1109 = arith.maximumf %max3A_1107, %slice3A_1108 : vector<128x128xf32>
    %slice3A_1110 = vector.extract_strided_slice %slice3A_1104 {offsets = [0, 384], sizes = [128, 128], strides = [1, 1]} : vector<128x1024xf32> to vector<128x128xf32>
    %max3A_1111 = arith.maximumf %max3A_1109, %slice3A_1110 : vector<128x128xf32>
    %slice3A_1112 = vector.extract_strided_slice %slice3A_1104 {offsets = [0, 512], sizes = [128, 128], strides = [1, 1]} : vector<128x1024xf32> to vector<128x128xf32>
    %max3A_1113 = arith.maximumf %max3A_1111, %slice3A_1112 : vector<128x128xf32>
    %slice3A_1114 = vector.extract_strided_slice %slice3A_1104 {offsets = [0, 640], sizes = [128, 128], strides = [1, 1]} : vector<128x1024xf32> to vector<128x128xf32>
    %max3A_1115 = arith.maximumf %max3A_1113, %slice3A_1114 : vector<128x128xf32>
    %slice3A_1116 = vector.extract_strided_slice %slice3A_1104 {offsets = [0, 768], sizes = [128, 128], strides = [1, 1]} : vector<128x1024xf32> to vector<128x128xf32>
    %max3A_1117 = arith.maximumf %max3A_1115, %slice3A_1116 : vector<128x128xf32>
    %slice3A_1118 = vector.extract_strided_slice %slice3A_1104 {offsets = [0, 896], sizes = [128, 128], strides = [1, 1]} : vector<128x1024xf32> to vector<128x128xf32>
    %max3A_1119 = arith.maximumf %max3A_1117, %slice3A_1118 : vector<128x128xf32>
    %max3A_1120 = arith.maximumf %max3A_880, %max3A_1119 : vector<128x128xf32>
    %slice3A_1121 = vector.extract_strided_slice %dot_general3A_905 {offsets = [1920, 0], sizes = [128, 1024], strides = [1, 1]} : vector<2048x1024xf32> to vector<128x1024xf32>
    %slice3A_1122 = vector.extract_strided_slice %slice3A_1121 {offsets = [0, 0], sizes = [128, 128], strides = [1, 1]} : vector<128x1024xf32> to vector<128x128xf32>
    %slice3A_1123 = vector.extract_strided_slice %slice3A_1121 {offsets = [0, 128], sizes = [128, 128], strides = [1, 1]} : vector<128x1024xf32> to vector<128x128xf32>
    %max3A_1124 = arith.maximumf %slice3A_1122, %slice3A_1123 : vector<128x128xf32>
    %slice3A_1125 = vector.extract_strided_slice %slice3A_1121 {offsets = [0, 256], sizes = [128, 128], strides = [1, 1]} : vector<128x1024xf32> to vector<128x128xf32>
    %max3A_1126 = arith.maximumf %max3A_1124, %slice3A_1125 : vector<128x128xf32>
    %slice3A_1127 = vector.extract_strided_slice %slice3A_1121 {offsets = [0, 384], sizes = [128, 128], strides = [1, 1]} : vector<128x1024xf32> to vector<128x128xf32>
    %max3A_1128 = arith.maximumf %max3A_1126, %slice3A_1127 : vector<128x128xf32>
    %slice3A_1129 = vector.extract_strided_slice %slice3A_1121 {offsets = [0, 512], sizes = [128, 128], strides = [1, 1]} : vector<128x1024xf32> to vector<128x128xf32>
    %max3A_1130 = arith.maximumf %max3A_1128, %slice3A_1129 : vector<128x128xf32>
    %slice3A_1131 = vector.extract_strided_slice %slice3A_1121 {offsets = [0, 640], sizes = [128, 128], strides = [1, 1]} : vector<128x1024xf32> to vector<128x128xf32>
    %max3A_1132 = arith.maximumf %max3A_1130, %slice3A_1131 : vector<128x128xf32>
    %slice3A_1133 = vector.extract_strided_slice %slice3A_1121 {offsets = [0, 768], sizes = [128, 128], strides = [1, 1]} : vector<128x1024xf32> to vector<128x128xf32>
    %max3A_1134 = arith.maximumf %max3A_1132, %slice3A_1133 : vector<128x128xf32>
    %slice3A_1135 = vector.extract_strided_slice %slice3A_1121 {offsets = [0, 896], sizes = [128, 128], strides = [1, 1]} : vector<128x1024xf32> to vector<128x128xf32>
    %max3A_1136 = arith.maximumf %max3A_1134, %slice3A_1135 : vector<128x128xf32>
    %max3A_1137 = arith.maximumf %max3A_897, %max3A_1136 : vector<128x128xf32>
    %get3A_1138 = arith.constant 3072 : index
    %get3A_1139 = arith.constant 0 : index
    %get3A_1140 = vector.load %arg3[%get3A_1138, %get3A_1139] : memref<4096x136xbf16, #tpu.memory_space<vmem>>, vector<1024x136xbf16>
    %get3A_1141 = arith.constant 3072 : index
    %get3A_1142 = arith.constant 0 : index
    %get3A_1143 = vector.load %arg4[%get3A_1141, %get3A_1142] : memref<4096x136xbf16, #tpu.memory_space<vmem>>, vector<1024x136xbf16>
    %dot_general3A_1144 = arith.constant dense<0.000000e+00> : vector<1024x1024xf32>
    %dot_general3A_1145 = tpu.matmul %get3A_1140, %get3A_1143, %dot_general3A_1144 {dimension_numbers = #tpu.dot_dimension_numbers<[1], [1], [0], [0], [0, 0, 1, 0], [], []>, transpose_lhs_hint = false} : vector<1024x136xbf16>, vector<1024x136xbf16>, vector<1024x1024xf32> -> vector<1024x1024xf32>
    %slice3A_1146 = vector.extract_strided_slice %dot_general3A_1145 {offsets = [0, 0], sizes = [128, 128], strides = [1, 1]} : vector<1024x1024xf32> to vector<128x128xf32>
    %jit3A_1147 = arith.constant -3.000000e+09 : f32
    %broadcast_in_dim3A_1148 = vector.broadcast %jit3A_1147 : f32 to vector<128x128xf32>
    %select_n3A_1149 = arith.select %le3A, %slice3A_1146, %broadcast_in_dim3A_1148 : vector<128x128xi1>, vector<128x128xf32>
    %max3A_1150 = arith.maximumf %max3A_1018, %select_n3A_1149 : vector<128x128xf32>
    %slice3A_1151 = vector.extract_strided_slice %dot_general3A_1145 {offsets = [128, 128], sizes = [128, 128], strides = [1, 1]} : vector<1024x1024xf32> to vector<128x128xf32>
    %jit3A_1152 = arith.constant -3.000000e+09 : f32
    %broadcast_in_dim3A_1153 = vector.broadcast %jit3A_1152 : f32 to vector<128x128xf32>
    %select_n3A_1154 = arith.select %le3A, %slice3A_1151, %broadcast_in_dim3A_1153 : vector<128x128xi1>, vector<128x128xf32>
    %slice3A_1155 = vector.extract_strided_slice %dot_general3A_1145 {offsets = [128, 0], sizes = [128, 128], strides = [1, 1]} : vector<1024x1024xf32> to vector<128x128xf32>
    %max3A_1156 = arith.maximumf %select_n3A_1154, %slice3A_1155 : vector<128x128xf32>
    %max3A_1157 = arith.maximumf %max3A_1035, %max3A_1156 : vector<128x128xf32>
    %slice3A_1158 = vector.extract_strided_slice %dot_general3A_1145 {offsets = [256, 256], sizes = [128, 128], strides = [1, 1]} : vector<1024x1024xf32> to vector<128x128xf32>
    %jit3A_1159 = arith.constant -3.000000e+09 : f32
    %broadcast_in_dim3A_1160 = vector.broadcast %jit3A_1159 : f32 to vector<128x128xf32>
    %select_n3A_1161 = arith.select %le3A, %slice3A_1158, %broadcast_in_dim3A_1160 : vector<128x128xi1>, vector<128x128xf32>
    %slice3A_1162 = vector.extract_strided_slice %dot_general3A_1145 {offsets = [256, 0], sizes = [128, 128], strides = [1, 1]} : vector<1024x1024xf32> to vector<128x128xf32>
    %max3A_1163 = arith.maximumf %select_n3A_1161, %slice3A_1162 : vector<128x128xf32>
    %slice3A_1164 = vector.extract_strided_slice %dot_general3A_1145 {offsets = [256, 128], sizes = [128, 128], strides = [1, 1]} : vector<1024x1024xf32> to vector<128x128xf32>
    %max3A_1165 = arith.maximumf %max3A_1163, %slice3A_1164 : vector<128x128xf32>
    %max3A_1166 = arith.maximumf %max3A_1052, %max3A_1165 : vector<128x128xf32>
    %slice3A_1167 = vector.extract_strided_slice %dot_general3A_1145 {offsets = [384, 384], sizes = [128, 128], strides = [1, 1]} : vector<1024x1024xf32> to vector<128x128xf32>
    %jit3A_1168 = arith.constant -3.000000e+09 : f32
    %broadcast_in_dim3A_1169 = vector.broadcast %jit3A_1168 : f32 to vector<128x128xf32>
    %select_n3A_1170 = arith.select %le3A, %slice3A_1167, %broadcast_in_dim3A_1169 : vector<128x128xi1>, vector<128x128xf32>
    %slice3A_1171 = vector.extract_strided_slice %dot_general3A_1145 {offsets = [384, 0], sizes = [128, 128], strides = [1, 1]} : vector<1024x1024xf32> to vector<128x128xf32>
    %max3A_1172 = arith.maximumf %select_n3A_1170, %slice3A_1171 : vector<128x128xf32>
    %slice3A_1173 = vector.extract_strided_slice %dot_general3A_1145 {offsets = [384, 128], sizes = [128, 128], strides = [1, 1]} : vector<1024x1024xf32> to vector<128x128xf32>
    %max3A_1174 = arith.maximumf %max3A_1172, %slice3A_1173 : vector<128x128xf32>
    %slice3A_1175 = vector.extract_strided_slice %dot_general3A_1145 {offsets = [384, 256], sizes = [128, 128], strides = [1, 1]} : vector<1024x1024xf32> to vector<128x128xf32>
    %max3A_1176 = arith.maximumf %max3A_1174, %slice3A_1175 : vector<128x128xf32>
    %max3A_1177 = arith.maximumf %max3A_1069, %max3A_1176 : vector<128x128xf32>
    %slice3A_1178 = vector.extract_strided_slice %dot_general3A_1145 {offsets = [512, 512], sizes = [128, 128], strides = [1, 1]} : vector<1024x1024xf32> to vector<128x128xf32>
    %jit3A_1179 = arith.constant -3.000000e+09 : f32
    %broadcast_in_dim3A_1180 = vector.broadcast %jit3A_1179 : f32 to vector<128x128xf32>
    %select_n3A_1181 = arith.select %le3A, %slice3A_1178, %broadcast_in_dim3A_1180 : vector<128x128xi1>, vector<128x128xf32>
    %slice3A_1182 = vector.extract_strided_slice %dot_general3A_1145 {offsets = [512, 0], sizes = [128, 128], strides = [1, 1]} : vector<1024x1024xf32> to vector<128x128xf32>
    %max3A_1183 = arith.maximumf %select_n3A_1181, %slice3A_1182 : vector<128x128xf32>
    %slice3A_1184 = vector.extract_strided_slice %dot_general3A_1145 {offsets = [512, 128], sizes = [128, 128], strides = [1, 1]} : vector<1024x1024xf32> to vector<128x128xf32>
    %max3A_1185 = arith.maximumf %max3A_1183, %slice3A_1184 : vector<128x128xf32>
    %slice3A_1186 = vector.extract_strided_slice %dot_general3A_1145 {offsets = [512, 256], sizes = [128, 128], strides = [1, 1]} : vector<1024x1024xf32> to vector<128x128xf32>
    %max3A_1187 = arith.maximumf %max3A_1185, %slice3A_1186 : vector<128x128xf32>
    %slice3A_1188 = vector.extract_strided_slice %dot_general3A_1145 {offsets = [512, 384], sizes = [128, 128], strides = [1, 1]} : vector<1024x1024xf32> to vector<128x128xf32>
    %max3A_1189 = arith.maximumf %max3A_1187, %slice3A_1188 : vector<128x128xf32>
    %max3A_1190 = arith.maximumf %max3A_1086, %max3A_1189 : vector<128x128xf32>
    %slice3A_1191 = vector.extract_strided_slice %dot_general3A_1145 {offsets = [640, 640], sizes = [128, 128], strides = [1, 1]} : vector<1024x1024xf32> to vector<128x128xf32>
    %jit3A_1192 = arith.constant -3.000000e+09 : f32
    %broadcast_in_dim3A_1193 = vector.broadcast %jit3A_1192 : f32 to vector<128x128xf32>
    %select_n3A_1194 = arith.select %le3A, %slice3A_1191, %broadcast_in_dim3A_1193 : vector<128x128xi1>, vector<128x128xf32>
    %slice3A_1195 = vector.extract_strided_slice %dot_general3A_1145 {offsets = [640, 0], sizes = [128, 128], strides = [1, 1]} : vector<1024x1024xf32> to vector<128x128xf32>
    %max3A_1196 = arith.maximumf %select_n3A_1194, %slice3A_1195 : vector<128x128xf32>
    %slice3A_1197 = vector.extract_strided_slice %dot_general3A_1145 {offsets = [640, 128], sizes = [128, 128], strides = [1, 1]} : vector<1024x1024xf32> to vector<128x128xf32>
    %max3A_1198 = arith.maximumf %max3A_1196, %slice3A_1197 : vector<128x128xf32>
    %slice3A_1199 = vector.extract_strided_slice %dot_general3A_1145 {offsets = [640, 256], sizes = [128, 128], strides = [1, 1]} : vector<1024x1024xf32> to vector<128x128xf32>
    %max3A_1200 = arith.maximumf %max3A_1198, %slice3A_1199 : vector<128x128xf32>
    %slice3A_1201 = vector.extract_strided_slice %dot_general3A_1145 {offsets = [640, 384], sizes = [128, 128], strides = [1, 1]} : vector<1024x1024xf32> to vector<128x128xf32>
    %max3A_1202 = arith.maximumf %max3A_1200, %slice3A_1201 : vector<128x128xf32>
    %slice3A_1203 = vector.extract_strided_slice %dot_general3A_1145 {offsets = [640, 512], sizes = [128, 128], strides = [1, 1]} : vector<1024x1024xf32> to vector<128x128xf32>
    %max3A_1204 = arith.maximumf %max3A_1202, %slice3A_1203 : vector<128x128xf32>
    %max3A_1205 = arith.maximumf %max3A_1103, %max3A_1204 : vector<128x128xf32>
    %slice3A_1206 = vector.extract_strided_slice %dot_general3A_1145 {offsets = [768, 768], sizes = [128, 128], strides = [1, 1]} : vector<1024x1024xf32> to vector<128x128xf32>
    %jit3A_1207 = arith.constant -3.000000e+09 : f32
    %broadcast_in_dim3A_1208 = vector.broadcast %jit3A_1207 : f32 to vector<128x128xf32>
    %select_n3A_1209 = arith.select %le3A, %slice3A_1206, %broadcast_in_dim3A_1208 : vector<128x128xi1>, vector<128x128xf32>
    %slice3A_1210 = vector.extract_strided_slice %dot_general3A_1145 {offsets = [768, 0], sizes = [128, 128], strides = [1, 1]} : vector<1024x1024xf32> to vector<128x128xf32>
    %max3A_1211 = arith.maximumf %select_n3A_1209, %slice3A_1210 : vector<128x128xf32>
    %slice3A_1212 = vector.extract_strided_slice %dot_general3A_1145 {offsets = [768, 128], sizes = [128, 128], strides = [1, 1]} : vector<1024x1024xf32> to vector<128x128xf32>
    %max3A_1213 = arith.maximumf %max3A_1211, %slice3A_1212 : vector<128x128xf32>
    %slice3A_1214 = vector.extract_strided_slice %dot_general3A_1145 {offsets = [768, 256], sizes = [128, 128], strides = [1, 1]} : vector<1024x1024xf32> to vector<128x128xf32>
    %max3A_1215 = arith.maximumf %max3A_1213, %slice3A_1214 : vector<128x128xf32>
    %slice3A_1216 = vector.extract_strided_slice %dot_general3A_1145 {offsets = [768, 384], sizes = [128, 128], strides = [1, 1]} : vector<1024x1024xf32> to vector<128x128xf32>
    %max3A_1217 = arith.maximumf %max3A_1215, %slice3A_1216 : vector<128x128xf32>
    %slice3A_1218 = vector.extract_strided_slice %dot_general3A_1145 {offsets = [768, 512], sizes = [128, 128], strides = [1, 1]} : vector<1024x1024xf32> to vector<128x128xf32>
    %max3A_1219 = arith.maximumf %max3A_1217, %slice3A_1218 : vector<128x128xf32>
    %slice3A_1220 = vector.extract_strided_slice %dot_general3A_1145 {offsets = [768, 640], sizes = [128, 128], strides = [1, 1]} : vector<1024x1024xf32> to vector<128x128xf32>
    %max3A_1221 = arith.maximumf %max3A_1219, %slice3A_1220 : vector<128x128xf32>
    %max3A_1222 = arith.maximumf %max3A_1120, %max3A_1221 : vector<128x128xf32>
    %slice3A_1223 = vector.extract_strided_slice %dot_general3A_1145 {offsets = [896, 896], sizes = [128, 128], strides = [1, 1]} : vector<1024x1024xf32> to vector<128x128xf32>
    %jit3A_1224 = arith.constant -3.000000e+09 : f32
    %broadcast_in_dim3A_1225 = vector.broadcast %jit3A_1224 : f32 to vector<128x128xf32>
    %select_n3A_1226 = arith.select %le3A, %slice3A_1223, %broadcast_in_dim3A_1225 : vector<128x128xi1>, vector<128x128xf32>
    %slice3A_1227 = vector.extract_strided_slice %dot_general3A_1145 {offsets = [896, 0], sizes = [128, 128], strides = [1, 1]} : vector<1024x1024xf32> to vector<128x128xf32>
    %max3A_1228 = arith.maximumf %select_n3A_1226, %slice3A_1227 : vector<128x128xf32>
    %slice3A_1229 = vector.extract_strided_slice %dot_general3A_1145 {offsets = [896, 128], sizes = [128, 128], strides = [1, 1]} : vector<1024x1024xf32> to vector<128x128xf32>
    %max3A_1230 = arith.maximumf %max3A_1228, %slice3A_1229 : vector<128x128xf32>
    %slice3A_1231 = vector.extract_strided_slice %dot_general3A_1145 {offsets = [896, 256], sizes = [128, 128], strides = [1, 1]} : vector<1024x1024xf32> to vector<128x128xf32>
    %max3A_1232 = arith.maximumf %max3A_1230, %slice3A_1231 : vector<128x128xf32>
    %slice3A_1233 = vector.extract_strided_slice %dot_general3A_1145 {offsets = [896, 384], sizes = [128, 128], strides = [1, 1]} : vector<1024x1024xf32> to vector<128x128xf32>
    %max3A_1234 = arith.maximumf %max3A_1232, %slice3A_1233 : vector<128x128xf32>
    %slice3A_1235 = vector.extract_strided_slice %dot_general3A_1145 {offsets = [896, 512], sizes = [128, 128], strides = [1, 1]} : vector<1024x1024xf32> to vector<128x128xf32>
    %max3A_1236 = arith.maximumf %max3A_1234, %slice3A_1235 : vector<128x128xf32>
    %slice3A_1237 = vector.extract_strided_slice %dot_general3A_1145 {offsets = [896, 640], sizes = [128, 128], strides = [1, 1]} : vector<1024x1024xf32> to vector<128x128xf32>
    %max3A_1238 = arith.maximumf %max3A_1236, %slice3A_1237 : vector<128x128xf32>
    %slice3A_1239 = vector.extract_strided_slice %dot_general3A_1145 {offsets = [896, 768], sizes = [128, 128], strides = [1, 1]} : vector<1024x1024xf32> to vector<128x128xf32>
    %max3A_1240 = arith.maximumf %max3A_1238, %slice3A_1239 : vector<128x128xf32>
    %max3A_1241 = arith.maximumf %max3A_1137, %max3A_1240 : vector<128x128xf32>
    %reduce_max3A = arith.constant dense<0xFF800000> : vector<128xf32>
    %reduce_max3A_1242 = vector.multi_reduction <maximumf>, %select_n3A_54, %reduce_max3A [1] : vector<128x128xf32> to vector<128xf32>
    %sub3A = arith.constant 0x49800000 : f32
    %sub3A_1243 = vector.broadcast %sub3A : f32 to vector<128xf32>
    %sub3A_1244 = arith.subf %sub3A_1243, %reduce_max3A_1242 : vector<128xf32>
    %convert_element_type3A_1245 = arith.fptosi %sub3A_1244 : vector<128xf32> to vector<128xi32>
    %swap3A_1246 = arith.constant 0 : index
    %swap3A_1247 = arith.constant 0 : index
    %swap3A_1248 = arith.constant 0 : index
    %swap3A_1249 = vector.load %arg2[%swap3A_1246, %swap3A_1247, %swap3A_1248] : memref<1x1x4096xi32, #tpu.memory_space<vmem>>, vector<1x1x128xi32>
    %swap3A_1250 = vector.shape_cast %swap3A_1249 : vector<1x1x128xi32> to vector<128xi32>
    %swap3A_1251 = vector.shape_cast %convert_element_type3A_1245 : vector<128xi32> to vector<1x1x128xi32>
    tpu.vector_store %arg2[%swap3A_1246, %swap3A_1247, %swap3A_1248], %swap3A_1251 {strides = array<i32>} : memref<1x1x4096xi32, #tpu.memory_space<vmem>>, vector<1x1x128xi32>,
    %reduce_max3A_1252 = arith.constant dense<0xFF800000> : vector<128xf32>
    %reduce_max3A_1253 = vector.multi_reduction <maximumf>, %max3A, %reduce_max3A_1252 [1] : vector<128x128xf32> to vector<128xf32>
    %sub3A_1254 = arith.constant 0x49800000 : f32
    %sub3A_1255 = vector.broadcast %sub3A_1254 : f32 to vector<128xf32>
    %sub3A_1256 = arith.subf %sub3A_1255, %reduce_max3A_1253 : vector<128xf32>
    %convert_element_type3A_1257 = arith.fptosi %sub3A_1256 : vector<128xf32> to vector<128xi32>
    %swap3A_1258 = arith.constant 0 : index
    %swap3A_1259 = arith.constant 0 : index
    %swap3A_1260 = arith.constant 128 : index
    %swap3A_1261 = vector.load %arg2[%swap3A_1258, %swap3A_1259, %swap3A_1260] : memref<1x1x4096xi32, #tpu.memory_space<vmem>>, vector<1x1x128xi32>
    %swap3A_1262 = vector.shape_cast %swap3A_1261 : vector<1x1x128xi32> to vector<128xi32>
    %swap3A_1263 = vector.shape_cast %convert_element_type3A_1257 : vector<128xi32> to vector<1x1x128xi32>
    tpu.vector_store %arg2[%swap3A_1258, %swap3A_1259, %swap3A_1260], %swap3A_1263 {strides = array<i32>} : memref<1x1x4096xi32, #tpu.memory_space<vmem>>, vector<1x1x128xi32>,
    %reduce_max3A_1264 = arith.constant dense<0xFF800000> : vector<128xf32>
    %reduce_max3A_1265 = vector.multi_reduction <maximumf>, %max3A_67, %reduce_max3A_1264 [1] : vector<128x128xf32> to vector<128xf32>
    %sub3A_1266 = arith.constant 0x49800000 : f32
    %sub3A_1267 = vector.broadcast %sub3A_1266 : f32 to vector<128xf32>
    %sub3A_1268 = arith.subf %sub3A_1267, %reduce_max3A_1265 : vector<128xf32>
    %convert_element_type3A_1269 = arith.fptosi %sub3A_1268 : vector<128xf32> to vector<128xi32>
    %swap3A_1270 = arith.constant 0 : index
    %swap3A_1271 = arith.constant 0 : index
    %swap3A_1272 = arith.constant 256 : index
    %swap3A_1273 = vector.load %arg2[%swap3A_1270, %swap3A_1271, %swap3A_1272] : memref<1x1x4096xi32, #tpu.memory_space<vmem>>, vector<1x1x128xi32>
    %swap3A_1274 = vector.shape_cast %swap3A_1273 : vector<1x1x128xi32> to vector<128xi32>
    %swap3A_1275 = vector.shape_cast %convert_element_type3A_1269 : vector<128xi32> to vector<1x1x128xi32>
    tpu.vector_store %arg2[%swap3A_1270, %swap3A_1271, %swap3A_1272], %swap3A_1275 {strides = array<i32>} : memref<1x1x4096xi32, #tpu.memory_space<vmem>>, vector<1x1x128xi32>,
    %reduce_max3A_1276 = arith.constant dense<0xFF800000> : vector<128xf32>
    %reduce_max3A_1277 = vector.multi_reduction <maximumf>, %max3A_77, %reduce_max3A_1276 [1] : vector<128x128xf32> to vector<128xf32>
    %sub3A_1278 = arith.constant 0x49800000 : f32
    %sub3A_1279 = vector.broadcast %sub3A_1278 : f32 to vector<128xf32>
    %sub3A_1280 = arith.subf %sub3A_1279, %reduce_max3A_1277 : vector<128xf32>
    %convert_element_type3A_1281 = arith.fptosi %sub3A_1280 : vector<128xf32> to vector<128xi32>
    %swap3A_1282 = arith.constant 0 : index
    %swap3A_1283 = arith.constant 0 : index
    %swap3A_1284 = arith.constant 384 : index
    %swap3A_1285 = vector.load %arg2[%swap3A_1282, %swap3A_1283, %swap3A_1284] : memref<1x1x4096xi32, #tpu.memory_space<vmem>>, vector<1x1x128xi32>
    %swap3A_1286 = vector.shape_cast %swap3A_1285 : vector<1x1x128xi32> to vector<128xi32>
    %swap3A_1287 = vector.shape_cast %convert_element_type3A_1281 : vector<128xi32> to vector<1x1x128xi32>
    tpu.vector_store %arg2[%swap3A_1282, %swap3A_1283, %swap3A_1284], %swap3A_1287 {strides = array<i32>} : memref<1x1x4096xi32, #tpu.memory_space<vmem>>, vector<1x1x128xi32>,
    %reduce_max3A_1288 = arith.constant dense<0xFF800000> : vector<128xf32>
    %reduce_max3A_1289 = vector.multi_reduction <maximumf>, %max3A_89, %reduce_max3A_1288 [1] : vector<128x128xf32> to vector<128xf32>
    %sub3A_1290 = arith.constant 0x49800000 : f32
    %sub3A_1291 = vector.broadcast %sub3A_1290 : f32 to vector<128xf32>
    %sub3A_1292 = arith.subf %sub3A_1291, %reduce_max3A_1289 : vector<128xf32>
    %convert_element_type3A_1293 = arith.fptosi %sub3A_1292 : vector<128xf32> to vector<128xi32>
    %swap3A_1294 = arith.constant 0 : index
    %swap3A_1295 = arith.constant 0 : index
    %swap3A_1296 = arith.constant 512 : index
    %swap3A_1297 = vector.load %arg2[%swap3A_1294, %swap3A_1295, %swap3A_1296] : memref<1x1x4096xi32, #tpu.memory_space<vmem>>, vector<1x1x128xi32>
    %swap3A_1298 = vector.shape_cast %swap3A_1297 : vector<1x1x128xi32> to vector<128xi32>
    %swap3A_1299 = vector.shape_cast %convert_element_type3A_1293 : vector<128xi32> to vector<1x1x128xi32>
    tpu.vector_store %arg2[%swap3A_1294, %swap3A_1295, %swap3A_1296], %swap3A_1299 {strides = array<i32>} : memref<1x1x4096xi32, #tpu.memory_space<vmem>>, vector<1x1x128xi32>,
    %reduce_max3A_1300 = arith.constant dense<0xFF800000> : vector<128xf32>
    %reduce_max3A_1301 = vector.multi_reduction <maximumf>, %max3A_103, %reduce_max3A_1300 [1] : vector<128x128xf32> to vector<128xf32>
    %sub3A_1302 = arith.constant 0x49800000 : f32
    %sub3A_1303 = vector.broadcast %sub3A_1302 : f32 to vector<128xf32>
    %sub3A_1304 = arith.subf %sub3A_1303, %reduce_max3A_1301 : vector<128xf32>
    %convert_element_type3A_1305 = arith.fptosi %sub3A_1304 : vector<128xf32> to vector<128xi32>
    %swap3A_1306 = arith.constant 0 : index
    %swap3A_1307 = arith.constant 0 : index
    %swap3A_1308 = arith.constant 640 : index
    %swap3A_1309 = vector.load %arg2[%swap3A_1306, %swap3A_1307, %swap3A_1308] : memref<1x1x4096xi32, #tpu.memory_space<vmem>>, vector<1x1x128xi32>
    %swap3A_1310 = vector.shape_cast %swap3A_1309 : vector<1x1x128xi32> to vector<128xi32>
    %swap3A_1311 = vector.shape_cast %convert_element_type3A_1305 : vector<128xi32> to vector<1x1x128xi32>
    tpu.vector_store %arg2[%swap3A_1306, %swap3A_1307, %swap3A_1308], %swap3A_1311 {strides = array<i32>} : memref<1x1x4096xi32, #tpu.memory_space<vmem>>, vector<1x1x128xi32>,
    %reduce_max3A_1312 = arith.constant dense<0xFF800000> : vector<128xf32>
    %reduce_max3A_1313 = vector.multi_reduction <maximumf>, %max3A_119, %reduce_max3A_1312 [1] : vector<128x128xf32> to vector<128xf32>
    %sub3A_1314 = arith.constant 0x49800000 : f32
    %sub3A_1315 = vector.broadcast %sub3A_1314 : f32 to vector<128xf32>
    %sub3A_1316 = arith.subf %sub3A_1315, %reduce_max3A_1313 : vector<128xf32>
    %convert_element_type3A_1317 = arith.fptosi %sub3A_1316 : vector<128xf32> to vector<128xi32>
    %swap3A_1318 = arith.constant 0 : index
    %swap3A_1319 = arith.constant 0 : index
    %swap3A_1320 = arith.constant 768 : index
    %swap3A_1321 = vector.load %arg2[%swap3A_1318, %swap3A_1319, %swap3A_1320] : memref<1x1x4096xi32, #tpu.memory_space<vmem>>, vector<1x1x128xi32>
    %swap3A_1322 = vector.shape_cast %swap3A_1321 : vector<1x1x128xi32> to vector<128xi32>
    %swap3A_1323 = vector.shape_cast %convert_element_type3A_1317 : vector<128xi32> to vector<1x1x128xi32>
    tpu.vector_store %arg2[%swap3A_1318, %swap3A_1319, %swap3A_1320], %swap3A_1323 {strides = array<i32>} : memref<1x1x4096xi32, #tpu.memory_space<vmem>>, vector<1x1x128xi32>,
    %reduce_max3A_1324 = arith.constant dense<0xFF800000> : vector<128xf32>
    %reduce_max3A_1325 = vector.multi_reduction <maximumf>, %max3A_137, %reduce_max3A_1324 [1] : vector<128x128xf32> to vector<128xf32>
    %sub3A_1326 = arith.constant 0x49800000 : f32
    %sub3A_1327 = vector.broadcast %sub3A_1326 : f32 to vector<128xf32>
    %sub3A_1328 = arith.subf %sub3A_1327, %reduce_max3A_1325 : vector<128xf32>
    %convert_element_type3A_1329 = arith.fptosi %sub3A_1328 : vector<128xf32> to vector<128xi32>
    %swap3A_1330 = arith.constant 0 : index
    %swap3A_1331 = arith.constant 0 : index
    %swap3A_1332 = arith.constant 896 : index
    %swap3A_1333 = vector.load %arg2[%swap3A_1330, %swap3A_1331, %swap3A_1332] : memref<1x1x4096xi32, #tpu.memory_space<vmem>>, vector<1x1x128xi32>
    %swap3A_1334 = vector.shape_cast %swap3A_1333 : vector<1x1x128xi32> to vector<128xi32>
    %swap3A_1335 = vector.shape_cast %convert_element_type3A_1329 : vector<128xi32> to vector<1x1x128xi32>
    tpu.vector_store %arg2[%swap3A_1330, %swap3A_1331, %swap3A_1332], %swap3A_1335 {strides = array<i32>} : memref<1x1x4096xi32, #tpu.memory_space<vmem>>, vector<1x1x128xi32>,
    %reduce_max3A_1336 = arith.constant dense<0xFF800000> : vector<128xf32>
    %reduce_max3A_1337 = vector.multi_reduction <maximumf>, %max3A_534, %reduce_max3A_1336 [1] : vector<128x128xf32> to vector<128xf32>
    %sub3A_1338 = arith.constant 0x49800000 : f32
    %sub3A_1339 = vector.broadcast %sub3A_1338 : f32 to vector<128xf32>
    %sub3A_1340 = arith.subf %sub3A_1339, %reduce_max3A_1337 : vector<128xf32>
    %convert_element_type3A_1341 = arith.fptosi %sub3A_1340 : vector<128xf32> to vector<128xi32>
    %swap3A_1342 = arith.constant 0 : index
    %swap3A_1343 = arith.constant 0 : index
    %swap3A_1344 = arith.constant 1024 : index
    %swap3A_1345 = vector.load %arg2[%swap3A_1342, %swap3A_1343, %swap3A_1344] : memref<1x1x4096xi32, #tpu.memory_space<vmem>>, vector<1x1x128xi32>
    %swap3A_1346 = vector.shape_cast %swap3A_1345 : vector<1x1x128xi32> to vector<128xi32>
    %swap3A_1347 = vector.shape_cast %convert_element_type3A_1341 : vector<128xi32> to vector<1x1x128xi32>
    tpu.vector_store %arg2[%swap3A_1342, %swap3A_1343, %swap3A_1344], %swap3A_1347 {strides = array<i32>} : memref<1x1x4096xi32, #tpu.memory_space<vmem>>, vector<1x1x128xi32>,
    %reduce_max3A_1348 = arith.constant dense<0xFF800000> : vector<128xf32>
    %reduce_max3A_1349 = vector.multi_reduction <maximumf>, %max3A_541, %reduce_max3A_1348 [1] : vector<128x128xf32> to vector<128xf32>
    %sub3A_1350 = arith.constant 0x49800000 : f32
    %sub3A_1351 = vector.broadcast %sub3A_1350 : f32 to vector<128xf32>
    %sub3A_1352 = arith.subf %sub3A_1351, %reduce_max3A_1349 : vector<128xf32>
    %convert_element_type3A_1353 = arith.fptosi %sub3A_1352 : vector<128xf32> to vector<128xi32>
    %swap3A_1354 = arith.constant 0 : index
    %swap3A_1355 = arith.constant 0 : index
    %swap3A_1356 = arith.constant 1152 : index
    %swap3A_1357 = vector.load %arg2[%swap3A_1354, %swap3A_1355, %swap3A_1356] : memref<1x1x4096xi32, #tpu.memory_space<vmem>>, vector<1x1x128xi32>
    %swap3A_1358 = vector.shape_cast %swap3A_1357 : vector<1x1x128xi32> to vector<128xi32>
    %swap3A_1359 = vector.shape_cast %convert_element_type3A_1353 : vector<128xi32> to vector<1x1x128xi32>
    tpu.vector_store %arg2[%swap3A_1354, %swap3A_1355, %swap3A_1356], %swap3A_1359 {strides = array<i32>} : memref<1x1x4096xi32, #tpu.memory_space<vmem>>, vector<1x1x128xi32>,
    %reduce_max3A_1360 = arith.constant dense<0xFF800000> : vector<128xf32>
    %reduce_max3A_1361 = vector.multi_reduction <maximumf>, %max3A_550, %reduce_max3A_1360 [1] : vector<128x128xf32> to vector<128xf32>
    %sub3A_1362 = arith.constant 0x49800000 : f32
    %sub3A_1363 = vector.broadcast %sub3A_1362 : f32 to vector<128xf32>
    %sub3A_1364 = arith.subf %sub3A_1363, %reduce_max3A_1361 : vector<128xf32>
    %convert_element_type3A_1365 = arith.fptosi %sub3A_1364 : vector<128xf32> to vector<128xi32>
    %swap3A_1366 = arith.constant 0 : index
    %swap3A_1367 = arith.constant 0 : index
    %swap3A_1368 = arith.constant 1280 : index
    %swap3A_1369 = vector.load %arg2[%swap3A_1366, %swap3A_1367, %swap3A_1368] : memref<1x1x4096xi32, #tpu.memory_space<vmem>>, vector<1x1x128xi32>
    %swap3A_1370 = vector.shape_cast %swap3A_1369 : vector<1x1x128xi32> to vector<128xi32>
    %swap3A_1371 = vector.shape_cast %convert_element_type3A_1365 : vector<128xi32> to vector<1x1x128xi32>
    tpu.vector_store %arg2[%swap3A_1366, %swap3A_1367, %swap3A_1368], %swap3A_1371 {strides = array<i32>} : memref<1x1x4096xi32, #tpu.memory_space<vmem>>, vector<1x1x128xi32>,
    %reduce_max3A_1372 = arith.constant dense<0xFF800000> : vector<128xf32>
    %reduce_max3A_1373 = vector.multi_reduction <maximumf>, %max3A_561, %reduce_max3A_1372 [1] : vector<128x128xf32> to vector<128xf32>
    %sub3A_1374 = arith.constant 0x49800000 : f32
    %sub3A_1375 = vector.broadcast %sub3A_1374 : f32 to vector<128xf32>
    %sub3A_1376 = arith.subf %sub3A_1375, %reduce_max3A_1373 : vector<128xf32>
    %convert_element_type3A_1377 = arith.fptosi %sub3A_1376 : vector<128xf32> to vector<128xi32>
    %swap3A_1378 = arith.constant 0 : index
    %swap3A_1379 = arith.constant 0 : index
    %swap3A_1380 = arith.constant 1408 : index
    %swap3A_1381 = vector.load %arg2[%swap3A_1378, %swap3A_1379, %swap3A_1380] : memref<1x1x4096xi32, #tpu.memory_space<vmem>>, vector<1x1x128xi32>
    %swap3A_1382 = vector.shape_cast %swap3A_1381 : vector<1x1x128xi32> to vector<128xi32>
    %swap3A_1383 = vector.shape_cast %convert_element_type3A_1377 : vector<128xi32> to vector<1x1x128xi32>
    tpu.vector_store %arg2[%swap3A_1378, %swap3A_1379, %swap3A_1380], %swap3A_1383 {strides = array<i32>} : memref<1x1x4096xi32, #tpu.memory_space<vmem>>, vector<1x1x128xi32>,
    %reduce_max3A_1384 = arith.constant dense<0xFF800000> : vector<128xf32>
    %reduce_max3A_1385 = vector.multi_reduction <maximumf>, %max3A_574, %reduce_max3A_1384 [1] : vector<128x128xf32> to vector<128xf32>
    %sub3A_1386 = arith.constant 0x49800000 : f32
    %sub3A_1387 = vector.broadcast %sub3A_1386 : f32 to vector<128xf32>
    %sub3A_1388 = arith.subf %sub3A_1387, %reduce_max3A_1385 : vector<128xf32>
    %convert_element_type3A_1389 = arith.fptosi %sub3A_1388 : vector<128xf32> to vector<128xi32>
    %swap3A_1390 = arith.constant 0 : index
    %swap3A_1391 = arith.constant 0 : index
    %swap3A_1392 = arith.constant 1536 : index
    %swap3A_1393 = vector.load %arg2[%swap3A_1390, %swap3A_1391, %swap3A_1392] : memref<1x1x4096xi32, #tpu.memory_space<vmem>>, vector<1x1x128xi32>
    %swap3A_1394 = vector.shape_cast %swap3A_1393 : vector<1x1x128xi32> to vector<128xi32>
    %swap3A_1395 = vector.shape_cast %convert_element_type3A_1389 : vector<128xi32> to vector<1x1x128xi32>
    tpu.vector_store %arg2[%swap3A_1390, %swap3A_1391, %swap3A_1392], %swap3A_1395 {strides = array<i32>} : memref<1x1x4096xi32, #tpu.memory_space<vmem>>, vector<1x1x128xi32>,
    %reduce_max3A_1396 = arith.constant dense<0xFF800000> : vector<128xf32>
    %reduce_max3A_1397 = vector.multi_reduction <maximumf>, %max3A_589, %reduce_max3A_1396 [1] : vector<128x128xf32> to vector<128xf32>
    %sub3A_1398 = arith.constant 0x49800000 : f32
    %sub3A_1399 = vector.broadcast %sub3A_1398 : f32 to vector<128xf32>
    %sub3A_1400 = arith.subf %sub3A_1399, %reduce_max3A_1397 : vector<128xf32>
    %convert_element_type3A_1401 = arith.fptosi %sub3A_1400 : vector<128xf32> to vector<128xi32>
    %swap3A_1402 = arith.constant 0 : index
    %swap3A_1403 = arith.constant 0 : index
    %swap3A_1404 = arith.constant 1664 : index
    %swap3A_1405 = vector.load %arg2[%swap3A_1402, %swap3A_1403, %swap3A_1404] : memref<1x1x4096xi32, #tpu.memory_space<vmem>>, vector<1x1x128xi32>
    %swap3A_1406 = vector.shape_cast %swap3A_1405 : vector<1x1x128xi32> to vector<128xi32>
    %swap3A_1407 = vector.shape_cast %convert_element_type3A_1401 : vector<128xi32> to vector<1x1x128xi32>
    tpu.vector_store %arg2[%swap3A_1402, %swap3A_1403, %swap3A_1404], %swap3A_1407 {strides = array<i32>} : memref<1x1x4096xi32, #tpu.memory_space<vmem>>, vector<1x1x128xi32>,
    %reduce_max3A_1408 = arith.constant dense<0xFF800000> : vector<128xf32>
    %reduce_max3A_1409 = vector.multi_reduction <maximumf>, %max3A_606, %reduce_max3A_1408 [1] : vector<128x128xf32> to vector<128xf32>
    %sub3A_1410 = arith.constant 0x49800000 : f32
    %sub3A_1411 = vector.broadcast %sub3A_1410 : f32 to vector<128xf32>
    %sub3A_1412 = arith.subf %sub3A_1411, %reduce_max3A_1409 : vector<128xf32>
    %convert_element_type3A_1413 = arith.fptosi %sub3A_1412 : vector<128xf32> to vector<128xi32>
    %swap3A_1414 = arith.constant 0 : index
    %swap3A_1415 = arith.constant 0 : index
    %swap3A_1416 = arith.constant 1792 : index
    %swap3A_1417 = vector.load %arg2[%swap3A_1414, %swap3A_1415, %swap3A_1416] : memref<1x1x4096xi32, #tpu.memory_space<vmem>>, vector<1x1x128xi32>
    %swap3A_1418 = vector.shape_cast %swap3A_1417 : vector<1x1x128xi32> to vector<128xi32>
    %swap3A_1419 = vector.shape_cast %convert_element_type3A_1413 : vector<128xi32> to vector<1x1x128xi32>
    tpu.vector_store %arg2[%swap3A_1414, %swap3A_1415, %swap3A_1416], %swap3A_1419 {strides = array<i32>} : memref<1x1x4096xi32, #tpu.memory_space<vmem>>, vector<1x1x128xi32>,
    %reduce_max3A_1420 = arith.constant dense<0xFF800000> : vector<128xf32>
    %reduce_max3A_1421 = vector.multi_reduction <maximumf>, %max3A_625, %reduce_max3A_1420 [1] : vector<128x128xf32> to vector<128xf32>
    %sub3A_1422 = arith.constant 0x49800000 : f32
    %sub3A_1423 = vector.broadcast %sub3A_1422 : f32 to vector<128xf32>
    %sub3A_1424 = arith.subf %sub3A_1423, %reduce_max3A_1421 : vector<128xf32>
    %convert_element_type3A_1425 = arith.fptosi %sub3A_1424 : vector<128xf32> to vector<128xi32>
    %swap3A_1426 = arith.constant 0 : index
    %swap3A_1427 = arith.constant 0 : index
    %swap3A_1428 = arith.constant 1920 : index
    %swap3A_1429 = vector.load %arg2[%swap3A_1426, %swap3A_1427, %swap3A_1428] : memref<1x1x4096xi32, #tpu.memory_space<vmem>>, vector<1x1x128xi32>
    %swap3A_1430 = vector.shape_cast %swap3A_1429 : vector<1x1x128xi32> to vector<128xi32>
    %swap3A_1431 = vector.shape_cast %convert_element_type3A_1425 : vector<128xi32> to vector<1x1x128xi32>
    tpu.vector_store %arg2[%swap3A_1426, %swap3A_1427, %swap3A_1428], %swap3A_1431 {strides = array<i32>} : memref<1x1x4096xi32, #tpu.memory_space<vmem>>, vector<1x1x128xi32>,
    %reduce_max3A_1432 = arith.constant dense<0xFF800000> : vector<128xf32>
    %reduce_max3A_1433 = vector.multi_reduction <maximumf>, %max3A_910, %reduce_max3A_1432 [1] : vector<128x128xf32> to vector<128xf32>
    %sub3A_1434 = arith.constant 0x49800000 : f32
    %sub3A_1435 = vector.broadcast %sub3A_1434 : f32 to vector<128xf32>
    %sub3A_1436 = arith.subf %sub3A_1435, %reduce_max3A_1433 : vector<128xf32>
    %convert_element_type3A_1437 = arith.fptosi %sub3A_1436 : vector<128xf32> to vector<128xi32>
    %swap3A_1438 = arith.constant 0 : index
    %swap3A_1439 = arith.constant 0 : index
    %swap3A_1440 = arith.constant 2048 : index
    %swap3A_1441 = vector.load %arg2[%swap3A_1438, %swap3A_1439, %swap3A_1440] : memref<1x1x4096xi32, #tpu.memory_space<vmem>>, vector<1x1x128xi32>
    %swap3A_1442 = vector.shape_cast %swap3A_1441 : vector<1x1x128xi32> to vector<128xi32>
    %swap3A_1443 = vector.shape_cast %convert_element_type3A_1437 : vector<128xi32> to vector<1x1x128xi32>
    tpu.vector_store %arg2[%swap3A_1438, %swap3A_1439, %swap3A_1440], %swap3A_1443 {strides = array<i32>} : memref<1x1x4096xi32, #tpu.memory_space<vmem>>, vector<1x1x128xi32>,
    %reduce_max3A_1444 = arith.constant dense<0xFF800000> : vector<128xf32>
    %reduce_max3A_1445 = vector.multi_reduction <maximumf>, %max3A_917, %reduce_max3A_1444 [1] : vector<128x128xf32> to vector<128xf32>
    %sub3A_1446 = arith.constant 0x49800000 : f32
    %sub3A_1447 = vector.broadcast %sub3A_1446 : f32 to vector<128xf32>
    %sub3A_1448 = arith.subf %sub3A_1447, %reduce_max3A_1445 : vector<128xf32>
    %convert_element_type3A_1449 = arith.fptosi %sub3A_1448 : vector<128xf32> to vector<128xi32>
    %swap3A_1450 = arith.constant 0 : index
    %swap3A_1451 = arith.constant 0 : index
    %swap3A_1452 = arith.constant 2176 : index
    %swap3A_1453 = vector.load %arg2[%swap3A_1450, %swap3A_1451, %swap3A_1452] : memref<1x1x4096xi32, #tpu.memory_space<vmem>>, vector<1x1x128xi32>
    %swap3A_1454 = vector.shape_cast %swap3A_1453 : vector<1x1x128xi32> to vector<128xi32>
    %swap3A_1455 = vector.shape_cast %convert_element_type3A_1449 : vector<128xi32> to vector<1x1x128xi32>
    tpu.vector_store %arg2[%swap3A_1450, %swap3A_1451, %swap3A_1452], %swap3A_1455 {strides = array<i32>} : memref<1x1x4096xi32, #tpu.memory_space<vmem>>, vector<1x1x128xi32>,
    %reduce_max3A_1456 = arith.constant dense<0xFF800000> : vector<128xf32>
    %reduce_max3A_1457 = vector.multi_reduction <maximumf>, %max3A_926, %reduce_max3A_1456 [1] : vector<128x128xf32> to vector<128xf32>
    %sub3A_1458 = arith.constant 0x49800000 : f32
    %sub3A_1459 = vector.broadcast %sub3A_1458 : f32 to vector<128xf32>
    %sub3A_1460 = arith.subf %sub3A_1459, %reduce_max3A_1457 : vector<128xf32>
    %convert_element_type3A_1461 = arith.fptosi %sub3A_1460 : vector<128xf32> to vector<128xi32>
    %swap3A_1462 = arith.constant 0 : index
    %swap3A_1463 = arith.constant 0 : index
    %swap3A_1464 = arith.constant 2304 : index
    %swap3A_1465 = vector.load %arg2[%swap3A_1462, %swap3A_1463, %swap3A_1464] : memref<1x1x4096xi32, #tpu.memory_space<vmem>>, vector<1x1x128xi32>
    %swap3A_1466 = vector.shape_cast %swap3A_1465 : vector<1x1x128xi32> to vector<128xi32>
    %swap3A_1467 = vector.shape_cast %convert_element_type3A_1461 : vector<128xi32> to vector<1x1x128xi32>
    tpu.vector_store %arg2[%swap3A_1462, %swap3A_1463, %swap3A_1464], %swap3A_1467 {strides = array<i32>} : memref<1x1x4096xi32, #tpu.memory_space<vmem>>, vector<1x1x128xi32>,
    %reduce_max3A_1468 = arith.constant dense<0xFF800000> : vector<128xf32>
    %reduce_max3A_1469 = vector.multi_reduction <maximumf>, %max3A_937, %reduce_max3A_1468 [1] : vector<128x128xf32> to vector<128xf32>
    %sub3A_1470 = arith.constant 0x49800000 : f32
    %sub3A_1471 = vector.broadcast %sub3A_1470 : f32 to vector<128xf32>
    %sub3A_1472 = arith.subf %sub3A_1471, %reduce_max3A_1469 : vector<128xf32>
    %convert_element_type3A_1473 = arith.fptosi %sub3A_1472 : vector<128xf32> to vector<128xi32>
    %swap3A_1474 = arith.constant 0 : index
    %swap3A_1475 = arith.constant 0 : index
    %swap3A_1476 = arith.constant 2432 : index
    %swap3A_1477 = vector.load %arg2[%swap3A_1474, %swap3A_1475, %swap3A_1476] : memref<1x1x4096xi32, #tpu.memory_space<vmem>>, vector<1x1x128xi32>
    %swap3A_1478 = vector.shape_cast %swap3A_1477 : vector<1x1x128xi32> to vector<128xi32>
    %swap3A_1479 = vector.shape_cast %convert_element_type3A_1473 : vector<128xi32> to vector<1x1x128xi32>
    tpu.vector_store %arg2[%swap3A_1474, %swap3A_1475, %swap3A_1476], %swap3A_1479 {strides = array<i32>} : memref<1x1x4096xi32, #tpu.memory_space<vmem>>, vector<1x1x128xi32>,
    %reduce_max3A_1480 = arith.constant dense<0xFF800000> : vector<128xf32>
    %reduce_max3A_1481 = vector.multi_reduction <maximumf>, %max3A_950, %reduce_max3A_1480 [1] : vector<128x128xf32> to vector<128xf32>
    %sub3A_1482 = arith.constant 0x49800000 : f32
    %sub3A_1483 = vector.broadcast %sub3A_1482 : f32 to vector<128xf32>
    %sub3A_1484 = arith.subf %sub3A_1483, %reduce_max3A_1481 : vector<128xf32>
    %convert_element_type3A_1485 = arith.fptosi %sub3A_1484 : vector<128xf32> to vector<128xi32>
    %swap3A_1486 = arith.constant 0 : index
    %swap3A_1487 = arith.constant 0 : index
    %swap3A_1488 = arith.constant 2560 : index
    %swap3A_1489 = vector.load %arg2[%swap3A_1486, %swap3A_1487, %swap3A_1488] : memref<1x1x4096xi32, #tpu.memory_space<vmem>>, vector<1x1x128xi32>
    %swap3A_1490 = vector.shape_cast %swap3A_1489 : vector<1x1x128xi32> to vector<128xi32>
    %swap3A_1491 = vector.shape_cast %convert_element_type3A_1485 : vector<128xi32> to vector<1x1x128xi32>
    tpu.vector_store %arg2[%swap3A_1486, %swap3A_1487, %swap3A_1488], %swap3A_1491 {strides = array<i32>} : memref<1x1x4096xi32, #tpu.memory_space<vmem>>, vector<1x1x128xi32>,
    %reduce_max3A_1492 = arith.constant dense<0xFF800000> : vector<128xf32>
    %reduce_max3A_1493 = vector.multi_reduction <maximumf>, %max3A_965, %reduce_max3A_1492 [1] : vector<128x128xf32> to vector<128xf32>
    %sub3A_1494 = arith.constant 0x49800000 : f32
    %sub3A_1495 = vector.broadcast %sub3A_1494 : f32 to vector<128xf32>
    %sub3A_1496 = arith.subf %sub3A_1495, %reduce_max3A_1493 : vector<128xf32>
    %convert_element_type3A_1497 = arith.fptosi %sub3A_1496 : vector<128xf32> to vector<128xi32>
    %swap3A_1498 = arith.constant 0 : index
    %swap3A_1499 = arith.constant 0 : index
    %swap3A_1500 = arith.constant 2688 : index
    %swap3A_1501 = vector.load %arg2[%swap3A_1498, %swap3A_1499, %swap3A_1500] : memref<1x1x4096xi32, #tpu.memory_space<vmem>>, vector<1x1x128xi32>
    %swap3A_1502 = vector.shape_cast %swap3A_1501 : vector<1x1x128xi32> to vector<128xi32>
    %swap3A_1503 = vector.shape_cast %convert_element_type3A_1497 : vector<128xi32> to vector<1x1x128xi32>
    tpu.vector_store %arg2[%swap3A_1498, %swap3A_1499, %swap3A_1500], %swap3A_1503 {strides = array<i32>} : memref<1x1x4096xi32, #tpu.memory_space<vmem>>, vector<1x1x128xi32>,
    %reduce_max3A_1504 = arith.constant dense<0xFF800000> : vector<128xf32>
    %reduce_max3A_1505 = vector.multi_reduction <maximumf>, %max3A_982, %reduce_max3A_1504 [1] : vector<128x128xf32> to vector<128xf32>
    %sub3A_1506 = arith.constant 0x49800000 : f32
    %sub3A_1507 = vector.broadcast %sub3A_1506 : f32 to vector<128xf32>
    %sub3A_1508 = arith.subf %sub3A_1507, %reduce_max3A_1505 : vector<128xf32>
    %convert_element_type3A_1509 = arith.fptosi %sub3A_1508 : vector<128xf32> to vector<128xi32>
    %swap3A_1510 = arith.constant 0 : index
    %swap3A_1511 = arith.constant 0 : index
    %swap3A_1512 = arith.constant 2816 : index
    %swap3A_1513 = vector.load %arg2[%swap3A_1510, %swap3A_1511, %swap3A_1512] : memref<1x1x4096xi32, #tpu.memory_space<vmem>>, vector<1x1x128xi32>
    %swap3A_1514 = vector.shape_cast %swap3A_1513 : vector<1x1x128xi32> to vector<128xi32>
    %swap3A_1515 = vector.shape_cast %convert_element_type3A_1509 : vector<128xi32> to vector<1x1x128xi32>
    tpu.vector_store %arg2[%swap3A_1510, %swap3A_1511, %swap3A_1512], %swap3A_1515 {strides = array<i32>} : memref<1x1x4096xi32, #tpu.memory_space<vmem>>, vector<1x1x128xi32>,
    %reduce_max3A_1516 = arith.constant dense<0xFF800000> : vector<128xf32>
    %reduce_max3A_1517 = vector.multi_reduction <maximumf>, %max3A_1001, %reduce_max3A_1516 [1] : vector<128x128xf32> to vector<128xf32>
    %sub3A_1518 = arith.constant 0x49800000 : f32
    %sub3A_1519 = vector.broadcast %sub3A_1518 : f32 to vector<128xf32>
    %sub3A_1520 = arith.subf %sub3A_1519, %reduce_max3A_1517 : vector<128xf32>
    %convert_element_type3A_1521 = arith.fptosi %sub3A_1520 : vector<128xf32> to vector<128xi32>
    %swap3A_1522 = arith.constant 0 : index
    %swap3A_1523 = arith.constant 0 : index
    %swap3A_1524 = arith.constant 2944 : index
    %swap3A_1525 = vector.load %arg2[%swap3A_1522, %swap3A_1523, %swap3A_1524] : memref<1x1x4096xi32, #tpu.memory_space<vmem>>, vector<1x1x128xi32>
    %swap3A_1526 = vector.shape_cast %swap3A_1525 : vector<1x1x128xi32> to vector<128xi32>
    %swap3A_1527 = vector.shape_cast %convert_element_type3A_1521 : vector<128xi32> to vector<1x1x128xi32>
    tpu.vector_store %arg2[%swap3A_1522, %swap3A_1523, %swap3A_1524], %swap3A_1527 {strides = array<i32>} : memref<1x1x4096xi32, #tpu.memory_space<vmem>>, vector<1x1x128xi32>,
    %reduce_max3A_1528 = arith.constant dense<0xFF800000> : vector<128xf32>
    %reduce_max3A_1529 = vector.multi_reduction <maximumf>, %max3A_1150, %reduce_max3A_1528 [1] : vector<128x128xf32> to vector<128xf32>
    %sub3A_1530 = arith.constant 0x49800000 : f32
    %sub3A_1531 = vector.broadcast %sub3A_1530 : f32 to vector<128xf32>
    %sub3A_1532 = arith.subf %sub3A_1531, %reduce_max3A_1529 : vector<128xf32>
    %convert_element_type3A_1533 = arith.fptosi %sub3A_1532 : vector<128xf32> to vector<128xi32>
    %swap3A_1534 = arith.constant 0 : index
    %swap3A_1535 = arith.constant 0 : index
    %swap3A_1536 = arith.constant 3072 : index
    %swap3A_1537 = vector.load %arg2[%swap3A_1534, %swap3A_1535, %swap3A_1536] : memref<1x1x4096xi32, #tpu.memory_space<vmem>>, vector<1x1x128xi32>
    %swap3A_1538 = vector.shape_cast %swap3A_1537 : vector<1x1x128xi32> to vector<128xi32>
    %swap3A_1539 = vector.shape_cast %convert_element_type3A_1533 : vector<128xi32> to vector<1x1x128xi32>
    tpu.vector_store %arg2[%swap3A_1534, %swap3A_1535, %swap3A_1536], %swap3A_1539 {strides = array<i32>} : memref<1x1x4096xi32, #tpu.memory_space<vmem>>, vector<1x1x128xi32>,
    %reduce_max3A_1540 = arith.constant dense<0xFF800000> : vector<128xf32>
    %reduce_max3A_1541 = vector.multi_reduction <maximumf>, %max3A_1157, %reduce_max3A_1540 [1] : vector<128x128xf32> to vector<128xf32>
    %sub3A_1542 = arith.constant 0x49800000 : f32
    %sub3A_1543 = vector.broadcast %sub3A_1542 : f32 to vector<128xf32>
    %sub3A_1544 = arith.subf %sub3A_1543, %reduce_max3A_1541 : vector<128xf32>
    %convert_element_type3A_1545 = arith.fptosi %sub3A_1544 : vector<128xf32> to vector<128xi32>
    %swap3A_1546 = arith.constant 0 : index
    %swap3A_1547 = arith.constant 0 : index
    %swap3A_1548 = arith.constant 3200 : index
    %swap3A_1549 = vector.load %arg2[%swap3A_1546, %swap3A_1547, %swap3A_1548] : memref<1x1x4096xi32, #tpu.memory_space<vmem>>, vector<1x1x128xi32>
    %swap3A_1550 = vector.shape_cast %swap3A_1549 : vector<1x1x128xi32> to vector<128xi32>
    %swap3A_1551 = vector.shape_cast %convert_element_type3A_1545 : vector<128xi32> to vector<1x1x128xi32>
    tpu.vector_store %arg2[%swap3A_1546, %swap3A_1547, %swap3A_1548], %swap3A_1551 {strides = array<i32>} : memref<1x1x4096xi32, #tpu.memory_space<vmem>>, vector<1x1x128xi32>,
    %reduce_max3A_1552 = arith.constant dense<0xFF800000> : vector<128xf32>
    %reduce_max3A_1553 = vector.multi_reduction <maximumf>, %max3A_1166, %reduce_max3A_1552 [1] : vector<128x128xf32> to vector<128xf32>
    %sub3A_1554 = arith.constant 0x49800000 : f32
    %sub3A_1555 = vector.broadcast %sub3A_1554 : f32 to vector<128xf32>
    %sub3A_1556 = arith.subf %sub3A_1555, %reduce_max3A_1553 : vector<128xf32>
    %convert_element_type3A_1557 = arith.fptosi %sub3A_1556 : vector<128xf32> to vector<128xi32>
    %swap3A_1558 = arith.constant 0 : index
    %swap3A_1559 = arith.constant 0 : index
    %swap3A_1560 = arith.constant 3328 : index
    %swap3A_1561 = vector.load %arg2[%swap3A_1558, %swap3A_1559, %swap3A_1560] : memref<1x1x4096xi32, #tpu.memory_space<vmem>>, vector<1x1x128xi32>
    %swap3A_1562 = vector.shape_cast %swap3A_1561 : vector<1x1x128xi32> to vector<128xi32>
    %swap3A_1563 = vector.shape_cast %convert_element_type3A_1557 : vector<128xi32> to vector<1x1x128xi32>
    tpu.vector_store %arg2[%swap3A_1558, %swap3A_1559, %swap3A_1560], %swap3A_1563 {strides = array<i32>} : memref<1x1x4096xi32, #tpu.memory_space<vmem>>, vector<1x1x128xi32>,
    %reduce_max3A_1564 = arith.constant dense<0xFF800000> : vector<128xf32>
    %reduce_max3A_1565 = vector.multi_reduction <maximumf>, %max3A_1177, %reduce_max3A_1564 [1] : vector<128x128xf32> to vector<128xf32>
    %sub3A_1566 = arith.constant 0x49800000 : f32
    %sub3A_1567 = vector.broadcast %sub3A_1566 : f32 to vector<128xf32>
    %sub3A_1568 = arith.subf %sub3A_1567, %reduce_max3A_1565 : vector<128xf32>
    %convert_element_type3A_1569 = arith.fptosi %sub3A_1568 : vector<128xf32> to vector<128xi32>
    %swap3A_1570 = arith.constant 0 : index
    %swap3A_1571 = arith.constant 0 : index
    %swap3A_1572 = arith.constant 3456 : index
    %swap3A_1573 = vector.load %arg2[%swap3A_1570, %swap3A_1571, %swap3A_1572] : memref<1x1x4096xi32, #tpu.memory_space<vmem>>, vector<1x1x128xi32>
    %swap3A_1574 = vector.shape_cast %swap3A_1573 : vector<1x1x128xi32> to vector<128xi32>
    %swap3A_1575 = vector.shape_cast %convert_element_type3A_1569 : vector<128xi32> to vector<1x1x128xi32>
    tpu.vector_store %arg2[%swap3A_1570, %swap3A_1571, %swap3A_1572], %swap3A_1575 {strides = array<i32>} : memref<1x1x4096xi32, #tpu.memory_space<vmem>>, vector<1x1x128xi32>,
    %reduce_max3A_1576 = arith.constant dense<0xFF800000> : vector<128xf32>
    %reduce_max3A_1577 = vector.multi_reduction <maximumf>, %max3A_1190, %reduce_max3A_1576 [1] : vector<128x128xf32> to vector<128xf32>
    %sub3A_1578 = arith.constant 0x49800000 : f32
    %sub3A_1579 = vector.broadcast %sub3A_1578 : f32 to vector<128xf32>
    %sub3A_1580 = arith.subf %sub3A_1579, %reduce_max3A_1577 : vector<128xf32>
    %convert_element_type3A_1581 = arith.fptosi %sub3A_1580 : vector<128xf32> to vector<128xi32>
    %swap3A_1582 = arith.constant 0 : index
    %swap3A_1583 = arith.constant 0 : index
    %swap3A_1584 = arith.constant 3584 : index
    %swap3A_1585 = vector.load %arg2[%swap3A_1582, %swap3A_1583, %swap3A_1584] : memref<1x1x4096xi32, #tpu.memory_space<vmem>>, vector<1x1x128xi32>
    %swap3A_1586 = vector.shape_cast %swap3A_1585 : vector<1x1x128xi32> to vector<128xi32>
    %swap3A_1587 = vector.shape_cast %convert_element_type3A_1581 : vector<128xi32> to vector<1x1x128xi32>
    tpu.vector_store %arg2[%swap3A_1582, %swap3A_1583, %swap3A_1584], %swap3A_1587 {strides = array<i32>} : memref<1x1x4096xi32, #tpu.memory_space<vmem>>, vector<1x1x128xi32>,
    %reduce_max3A_1588 = arith.constant dense<0xFF800000> : vector<128xf32>
    %reduce_max3A_1589 = vector.multi_reduction <maximumf>, %max3A_1205, %reduce_max3A_1588 [1] : vector<128x128xf32> to vector<128xf32>
    %sub3A_1590 = arith.constant 0x49800000 : f32
    %sub3A_1591 = vector.broadcast %sub3A_1590 : f32 to vector<128xf32>
    %sub3A_1592 = arith.subf %sub3A_1591, %reduce_max3A_1589 : vector<128xf32>
    %convert_element_type3A_1593 = arith.fptosi %sub3A_1592 : vector<128xf32> to vector<128xi32>
    %swap3A_1594 = arith.constant 0 : index
    %swap3A_1595 = arith.constant 0 : index
    %swap3A_1596 = arith.constant 3712 : index
    %swap3A_1597 = vector.load %arg2[%swap3A_1594, %swap3A_1595, %swap3A_1596] : memref<1x1x4096xi32, #tpu.memory_space<vmem>>, vector<1x1x128xi32>
    %swap3A_1598 = vector.shape_cast %swap3A_1597 : vector<1x1x128xi32> to vector<128xi32>
    %swap3A_1599 = vector.shape_cast %convert_element_type3A_1593 : vector<128xi32> to vector<1x1x128xi32>
    tpu.vector_store %arg2[%swap3A_1594, %swap3A_1595, %swap3A_1596], %swap3A_1599 {strides = array<i32>} : memref<1x1x4096xi32, #tpu.memory_space<vmem>>, vector<1x1x128xi32>,
    %reduce_max3A_1600 = arith.constant dense<0xFF800000> : vector<128xf32>
    %reduce_max3A_1601 = vector.multi_reduction <maximumf>, %max3A_1222, %reduce_max3A_1600 [1] : vector<128x128xf32> to vector<128xf32>
    %sub3A_1602 = arith.constant 0x49800000 : f32
    %sub3A_1603 = vector.broadcast %sub3A_1602 : f32 to vector<128xf32>
    %sub3A_1604 = arith.subf %sub3A_1603, %reduce_max3A_1601 : vector<128xf32>
    %convert_element_type3A_1605 = arith.fptosi %sub3A_1604 : vector<128xf32> to vector<128xi32>
    %swap3A_1606 = arith.constant 0 : index
    %swap3A_1607 = arith.constant 0 : index
    %swap3A_1608 = arith.constant 3840 : index
    %swap3A_1609 = vector.load %arg2[%swap3A_1606, %swap3A_1607, %swap3A_1608] : memref<1x1x4096xi32, #tpu.memory_space<vmem>>, vector<1x1x128xi32>
    %swap3A_1610 = vector.shape_cast %swap3A_1609 : vector<1x1x128xi32> to vector<128xi32>
    %swap3A_1611 = vector.shape_cast %convert_element_type3A_1605 : vector<128xi32> to vector<1x1x128xi32>
    tpu.vector_store %arg2[%swap3A_1606, %swap3A_1607, %swap3A_1608], %swap3A_1611 {strides = array<i32>} : memref<1x1x4096xi32, #tpu.memory_space<vmem>>, vector<1x1x128xi32>,
    %reduce_max3A_1612 = arith.constant dense<0xFF800000> : vector<128xf32>
    %reduce_max3A_1613 = vector.multi_reduction <maximumf>, %max3A_1241, %reduce_max3A_1612 [1] : vector<128x128xf32> to vector<128xf32>
    %sub3A_1614 = arith.constant 0x49800000 : f32
    %sub3A_1615 = vector.broadcast %sub3A_1614 : f32 to vector<128xf32>
    %sub3A_1616 = arith.subf %sub3A_1615, %reduce_max3A_1613 : vector<128xf32>
    %convert_element_type3A_1617 = arith.fptosi %sub3A_1616 : vector<128xf32> to vector<128xi32>
    %swap3A_1618 = arith.constant 0 : index
    %swap3A_1619 = arith.constant 0 : index
    %swap3A_1620 = arith.constant 3968 : index
    %swap3A_1621 = vector.load %arg2[%swap3A_1618, %swap3A_1619, %swap3A_1620] : memref<1x1x4096xi32, #tpu.memory_space<vmem>>, vector<1x1x128xi32>
    %swap3A_1622 = vector.shape_cast %swap3A_1621 : vector<1x1x128xi32> to vector<128xi32>
    %swap3A_1623 = vector.shape_cast %convert_element_type3A_1617 : vector<128xi32> to vector<1x1x128xi32>
    tpu.vector_store %arg2[%swap3A_1618, %swap3A_1619, %swap3A_1620], %swap3A_1623 {strides = array<i32>} : memref<1x1x4096xi32, #tpu.memory_space<vmem>>, vector<1x1x128xi32>,
    return
  }
  func.func @transform_1(%arg0: i32) -> (i32, i32, i32) {
    %c0_i32 = arith.constant 0 : i32
    %c0_i32_0 = arith.constant 0 : i32
    %c0_i32_1 = arith.constant 0 : i32
    %c0_i32_2 = arith.constant 0 : i32
    return %c0_i32, %c0_i32_0, %c0_i32_1 : i32, i32, i32
  }
}

</mosaic_0001>

<sc_bundles>
// kernel: kernel.4.cloned.1.call-start
scs
__scs_entry_jumppad:
0x0: {  	(pc) =	sbr.rel $0x88, $3  }
0x1: {  	(tag) =	ssettag $0x0;
	lr =	simm.s32 $0x1  }
0x2: {  	[smem:$0x3FA0] =	sst lr;
	_ =	strace $0xD0000000  }
0x3: {  	_ = 	snop  }
0x4: {  	_ = 	snop  }
0x5: {  	_ = 	snop  }
0x6: {  	_ = 	snop  }
0x7: {  	_ = 	snop  }
__scs_overlays_trampoline_lowered:
0x8: {  	[smem:$0x3FAF] =	sst s0  }
0x9: {  	[smem:$0x3FB0] =	sst s1  }
0xa: {  	[smem:$0x3FB1] =	sst s2  }
0xb: {  	[smem:$0x3FB2] =	sst s3  }
0xc: {  	[smem:$0x3FB3] =	sst s4  }
0xd: {  	[smem:$0x3FB4] =	sst s5  }
0xe: {  	[smem:$0x3FB5] =	sst s6  }
0xf: {  	[smem:$0x3FB6] =	sst s7  }
0x10: {  	[smem:$0x3FB7] =	sst s8  }
0x11: {  	[smem:$0x3FB8] =	sst s9;
	s0 =	simm.s32 @!p0 $0x0  }
0x12: {  	s1 =	sld [smem:$0x3F9E];
	s0 =	simm.s32 @p0 $0x1  }
0x13: {  	[smem:$0x3FB9] =	sst s0;
	s0 =	simm.s32 @!p1 $0x0  }
0x14: {  	s2 =	sld [smem:$0x3F9D];
	s0 =	simm.s32 @p1 $0x1  }
0x15: {  	[smem:$0x3FBA] =	sst s0;
	s0 =	simm.s32 @!p2 $0x0  }
0x16: {  	s3 =	sld [smem:$0x3FDB];
	s0 =	simm.s32 @p2 $0x1  }
0x17: {  	s4 =	simm.s32 $0x1BF5;
	[smem:$0x3FBC] =	sst s0  }
0x18: {  	s0 =	sld [smem:$0x3F9F];
	_ =	swait.ge [sflag:s4], $0x0  }
0x19: {  	s7 =	sld [smem:$0x3FA0]  }
0x1a: {  	s8 =	sadd.s32 $0xFFFFE003, lr  }
0x1b: {  	s9 =	sadd.s32 $0xFFFFFEF7, lr;
	s5 =	simm.s32 $0xFFFFFFFF;
	p2 =	slt.u32 s8, $0xFFFFF086  }
0x1c: {  	p1 =	slt.u32 s9, $0xF7A;
	s5 =	simm.s32 @!p2 $0x0  }
0x1d: {  	s5 =	simm.s32 @p1 $0x1;
	p0 =	seq.s32 s7, s2  }
0x1e: {  	s7 =	smul.u32 @!p0 $0xF7A, s2;
	p2 =	seq.s32 @!p0 s5, $0x0  }
0x1f: {  	s9 =	smul.u32 $0xF7A, s1;
	s8 =	simm.s32 @!p0 $0x1BF5;
	p2 =	por !p2, p0  }
0x20: {  	[sflag:s8] =	ssyncset.s32 @!p0 $0xFFFFF086;
	s6 =	sadd.s32 @!p0 s3, s7;
	s7 =	simm.s32 @!p0 $0x108  }
0x21: {  	s3 =	sadd.s32 s3, s9;
	s6 =	sadd.s32 @!p0 $0x88, s6;
	s7 =	simm.s32 @p2 $0x1082  }
0x22: {  	[simem:s7], [sflag:s8] =	dma.local @!p0 [hbm:s6], $0xF7A  }
0x23: {  	s9 =	sor.u32 $0xD0000000, s2;
	s6 =	simm.s32 $0x108;
	_ =	swait.ge @!p0 [sflag:s8], $0x0  }
0x24: {  	s3 =	sadd.s32 $0x88, s3;
	s6 =	simm.s32 @!p1 $0x1082;
	[sflag:s4] =	ssyncset.s32 $0xFFFFF086  }
0x25: {  	[simem:s6], [sflag:s4] =	dma.local [hbm:s3], $0xF7A  }
0x26: {  	[smem:$0x3FA0] =	sst s1;
	(tag) =	ssettag s2;
	_ =	strace s9  }
0x27: {  	s1 =	sld [smem:$0x3FB0]  }
0x28: {  	s2 =	sld [smem:$0x3FB1]  }
0x29: {  	s4 =	sld [smem:$0x3FB3]  }
0x2a: {  	p0 =	seq.s32 s5, $0x0;
	s5 =	sld [smem:$0x3FB4]  }
0x2b: {  	s6 =	sld [smem:$0x3FB5]  }
0x2c: {  	s7 =	sld [smem:$0x3FB6]  }
0x2d: {  	s3 =	simm.s32 $0x108;
	s8 =	sld [smem:$0x3FB7]  }
0x2e: {  	s3 =	simm.s32 @!p0 $0x1082;
	s9 =	sld [smem:$0x3FB8]  }
0x2f: {  	lr =	sadd.s32 s0, s3;
	s0 =	sld [smem:$0x3FAF]  }
0x30: {  	s3 =	sld [smem:$0x3FB2]  }
0x31: {  	[smem:$0x3FBB] =	sst s10  }
0x32: {  	s10 =	sld [smem:$0x3FB9];
	_ =	sdelay $0x3  }
0x33: {  	p0 =	seq.s32 s10, $0x1;
	s10 =	sld [smem:$0x3FBB];
	_ =	sdelay $0x3  }
0x34: {  	[smem:$0x3FBB] =	sst s10  }
0x35: {  	s10 =	sld [smem:$0x3FBA];
	_ =	sdelay $0x3  }
0x36: {  	p1 =	seq.s32 s10, $0x1;
	s10 =	sld [smem:$0x3FBB];
	_ =	sdelay $0x3  }
0x37: {  	[smem:$0x3FBB] =	sst s10  }
0x38: {  	s10 =	sld [smem:$0x3FBC]  }
0x39: {  	_ = 	snop;
	(pc) =	sbr.ind lr, $3  }
0x3a: {  	_ = 	snop  }
0x3b: {  	_ = 	snop  }
0x3c: {  	p2 =	seq.s32 s10, $0x1;
	s10 =	sld [smem:$0x3FBB]  }
0x3d: {  	_ =	shalt  }
0x3e: {  	_ =	shalt  }
0x3f: {  	_ =	shalt  }
0x40: {  	_ =	shalt  }
0x41: {  	_ =	shalt  }
0x42: {  	_ =	shalt  }
0x43: {  	_ =	shalt  }
0x44: {  	_ =	shalt  }
0x45: {  	_ =	shalt  }
0x46: {  	_ =	shalt  }
0x47: {  	_ =	shalt  }
0x48: {  	_ =	shalt  }
0x49: {  	_ =	shalt  }
0x4a: {  	_ =	shalt  }
0x4b: {  	_ =	shalt  }
0x4c: {  	_ =	shalt  }
0x4d: {  	_ =	shalt  }
0x4e: {  	_ =	shalt  }
0x4f: {  	_ =	shalt  }
0x50: {  	_ =	shalt  }
0x51: {  	_ =	shalt  }
0x52: {  	_ =	shalt  }
0x53: {  	_ =	shalt  }
0x54: {  	_ =	shalt  }
0x55: {  	_ =	shalt  }
0x56: {  	_ =	shalt  }
0x57: {  	_ =	shalt  }
0x58: {  	_ =	shalt  }
0x59: {  	_ =	shalt  }
0x5a: {  	_ =	shalt  }
0x5b: {  	_ =	shalt  }
0x5c: {  	_ =	shalt  }
0x5d: {  	_ =	shalt  }
0x5e: {  	_ =	shalt  }
0x5f: {  	_ =	shalt  }
0x60: {  	_ =	shalt  }
0x61: {  	_ =	shalt  }
0x62: {  	_ =	shalt  }
0x63: {  	_ =	shalt  }
0x64: {  	_ =	shalt  }
0x65: {  	_ =	shalt  }
0x66: {  	_ =	shalt  }
0x67: {  	_ =	shalt  }
0x68: {  	_ =	shalt  }
0x69: {  	_ =	shalt  }
0x6a: {  	_ =	shalt  }
0x6b: {  	_ =	shalt  }
0x6c: {  	_ =	shalt  }
0x6d: {  	_ =	shalt  }
0x6e: {  	_ =	shalt  }
0x6f: {  	_ =	shalt  }
0x70: {  	_ =	shalt  }
0x71: {  	_ =	shalt  }
0x72: {  	_ =	shalt  }
0x73: {  	_ =	shalt  }
0x74: {  	_ =	shalt  }
0x75: {  	_ =	shalt  }
0x76: {  	_ =	shalt  }
0x77: {  	_ =	shalt  }
0x78: {  	_ =	shalt  }
0x79: {  	_ =	shalt  }
0x7a: {  	_ =	shalt  }
0x7b: {  	_ =	shalt  }
0x7c: {  	_ =	shalt  }
0x7d: {  	_ =	shalt  }
0x7e: {  	_ =	shalt  }
0x7f: {  	_ =	shalt  }
0x80: {  	_ =	shalt  }
0x81: {  	_ =	shalt  }
0x82: {  	_ =	shalt  }
0x83: {  	_ =	shalt  }
0x84: {  	_ =	shalt  }
0x85: {  	_ =	shalt  }
0x86: {  	_ =	shalt  }
0x87: {  	_ =	shalt  }
.Lfunc_end0:
.L_simem_size_0:
called_computation_lowered:
.L_overlay_start_0:
0x88: {  	s2 =	sld [smem:$0x3FD9]  }
0x89: {  	s3 =	sld [smem:$0x3FFE];
	_ =	sdelay $0x1  }
0x8a: {  	s1 =	srdreg.scid  }
0x8b: {  	s0 =	sand.u32 $0x1, s1  }
0x8c: {  	s17 =	sshll.u32 s0, $0xA;
	s2 =	sadd.s32 s3, s2  }
0x8d: {  	s2 =	sadd.s32 s2, s17  }
0x8e: {  	[smem:$0x3FC7] =	sst s2  }
0x8f: {  	_ = 	snop  }
0x90: {  	s2 =	sld [smem:$0x3FC9]  }
0x91: {  	s18 =	sld [smem:$0x3FD0];
	(tm) =	ssettm $0x1  }
0x92: {  	s4 =	sld [smem:$0x3FFB];
	_ =	sdelay $0x3  }
0x93: {  	_ =	strace s4  }
0x94: {  	s4 =	sld [smem:$0x3FFC];
	_ =	sdelay $0x3  }
0x95: {  	_ =	strace s4  }
0x96: {  	s4 =	sld [smem:$0x3FFD];
	_ =	sdelay $0x3  }
0x97: {  	_ =	strace s4  }
0x98: {  	_ =	strace $0x8FFFFFFF  }
0x99: {  	s19 =	sld [smem:$0x3FDB];
	_ =	sdelay $0x1  }
0x9a: {  	s5 =	simm.s32 $_scs_section_size  }
0x9b: {  	s6 =	simm.s32 $_size__tile_overlayer_lowered;
	s7 =	simm.s32 $_tile_overlayer_lowered  }
0x9c: {  	s22 =	simm.s32 $0x1BFF;
	s21 =	sshll.u32 s7, $0x1;
	s4 =	sadd.s32 s5, s19  }
0x9d: {  	s8 =	simm.s32 $0x0;
	s20 =	sshll.u32 s6, $0x1;
	s6 =	sadd.s32 s21, s4  }
0x9e: {  	[timem:s8], [sflag:s22] =	dma.local [hbm:s6], s20  }
0x9f: {  	_ =	swait.ge [sflag:s22], s20  }
0xa0: {  	s5 =	ssub.s32 $0x0, s20;
	[sflag:s22] =	ssyncset.done $0x0  }
0xa1: {  	[sflag:s22] =	ssyncadd.s32 s5;
	_ =	sdelay $0x1  }
0xa2: {  	s23 =	simm.s32 $0x1B8B  }
0xa3: {  	_ =	swait.ge [sflag:s23], $0x1  }
0xa4: {  	[sflag:s23] =	ssyncset.done $0x0  }
0xa5: {  	s25 =	simm.s32 $0x1B8E;
	s24 =	sld [smem:$0x3FFE];
	[sflag:s23] =	ssyncadd.s32 $0xFFFFFFFF  }
0xa6: {  	s26 =	simm.s32 $execute0_lowered;
	[smem:$0x3FD2] =	sst s25  }
0xa7: {  	s6 =	sshll.u32 s26, $0x1;
	_ =	strace $0x80000046;
	[dreg:$0x1] =	wrdreg $0xFFFFFFFF  }
0xa8: {  	s28 =	simm.s32 $_size_execute0_lowered;
	s4 =	sadd.s32 s4, s6;
	[dreg:$0x0] =	wrdreg $0x0  }
0xa9: {  	s6 =	sshll.u32 s28, $0x1;
	[dreg:$0x2] =	wrdreg s4  }
0xaa: {  	[dreg:$0x3] =	wrdreg s6  }
0xab: {  	[dreg:$0x4] =	wrdreg $0xC0  }
0xac: {  	_ =	task [dreg:s8], $0x5FFFF  }
0xad: {  	[dreg:$0x1] =	wrdreg $0xFFFFFFFF  }
0xae: {  	[dreg:$0x0] =	wrdreg $0x60  }
0xaf: {  	[dreg:$0x2] =	wrdreg s2  }
0xb0: {  	[dreg:$0x3] =	wrdreg s24  }
0xb1: {  	[dreg:$0x4] =	wrdreg s18  }
0xb2: {  	[dreg:$0x5] =	wrdreg $0x9  }
0xb3: {  	_ =	task.clear_ibuf [dreg:s8], $0x6FFFF;
	_ =	strace $0x90000046  }
0xb4: {  	s29 =	simm.s32 $0x9;
	_ =	strace $0x80000048  }
0xb5: {  	_ =	swait.ge [sflag:s29], $0x1  }
0xb6: {  	[sflag:s29] =	ssyncadd.s32 $0xFFFFFFFF  }
0xb7: {  	_ =	strace $0x90000048  }
0xb8: {  	_ =	sfence  }
0xb9: {  	s30 =	sld [smem:$0x0];
	_ =	sdelay $0x2  }
0xba: {  	s31 =	sshll.u32 s1, $0xD;
	s1 =	sshrl.u32 s1, $0x2  }
0xbb: {  	s3 =	sand.u32 $0x4000, s31;
	s1 =	sadd.s32 s1, s30  }
0xbc: {  	s0 =	sor.u32 s3, s0;
	s1 =	sshll.u32 s1, $0x11  }
0xbd: {  	s0 =	sor.u32 s1, s0  }
0xbe: {  	s0 =	sadd.s32 $0x8F2B, s0  }
0xbf: {  	[sflag:s0] =	ssyncadd.remote.s32 $0x1  }
0xc0: {  	_ =	sfence.sel $0xFFFF  }
0xc1: {  	[dreg:$0x0] =	wrdreg $0xFFFFFFFF;
	(pc) =	sbr.abs _section_cstart, $3  }
0xc2: {  	[dreg:$0x1] =	wrdreg $0xFFFFFFFF  }
0xc3: {  	_ =	task.clear_ibuf [dreg:s8], $0x2FFFF;
	_ =	strace $0x9FFFFFFF  }
0xc4: {  	(tm) =	ssettm $0x7FFFFFFF  }
0xc5: {  	_ =	shalt  }
tec
execute0_lowered:
.L_overlay_start_1:
0x0: {  	(tag) =	ssettag $0x1  }
0x1: {  	s2 =	srdreg.scid  }
0x2: {  	s1 =	rddreg [dreg:$0x0];
	s0 =	stileid.u32;
	s6 =	sand.u32 $0x1, s2  }
0x3: {  	s4 =	rddreg [dreg:$0x1];
	s30 =	sshll.u32 s0, $0x8;
	s3 =	sshll.u32 s6, $0x7  }
0x4: {  	s8 =	rddreg [dreg:$0x2];
	s9 =	sor.u32 s3, s30  }
0x5: {  	s2 =	rddreg [dreg:$0x3];
	s3 =	simm.s32 $0x0;
	s5 =	sshrl.u32 s9, $0x3  }
0x6: {  	s10 =	ssub.s32 $0x2, s6;
	[smem:$0x7FF] =	sst s3;
	s4 =	sadd.s32 s5, s4  }
0x7: {  	_ =	strace $0x80000047;
	s5 =	sadd.s32 $0x800, s4;
	s4 =	simm.s32 $0x2  }
0x8: {  	[tilespmem:s3], [sflag:$0x2] =	stream.linear.gather [hbm4b:s5+s3], $0x80, $0x38;
	[tilespmem:$0x4080] =	vst v63  }
0x9: {  	s11 =	sshrl.u32 s10, $0x1;
	_ =	swait.ge [sflag:s4], $0x80  }
0xa: {  	s7 =	simm.s32 $0x1;
	s10 =	ssub.s32 s10, s11;
	[sflag:s4] =	ssyncset.done $0x0  }
0xb: {  	s6 =	simm.s32 $0x80;
	s31 =	smax.u32 s10, $0x1;
	[sflag:s4] =	ssyncadd.s32 $0xFFFFFF80  }
0xc: {  	[tilespmem:s6], [sflag:$0x1] =	stream.indirect.gather [hbm4b:s1+s6], $0x80, s3, s6, $0xb8;
	[tilespmem:$0x4080] =	vst v63  }
0xd: {  	p0 =	sne.s32 s31, $0x1;
	_ =	swait.ge [sflag:s7], $0x4000  }
.Ltmp0:
0xe: {  	s9 =	sshll.u32 s9, $0x4;
	[sflag:s7] =	ssyncset.done $0x0;
	(pc) =	sbr.rel @!p0 .LBB2_2-.Ltmp0, $4  }
0xf: {  	s8 =	sadd.s32 s8, s9;
	[sflag:s7] =	ssyncadd.s32 $0xFFFFC000  }
0x10: {  	[hbm4b:s8+s3] =	stream.linear.scatter [tilespmem:s6], [sflag:$0x2], $0x4000, $0x38;
	[tilespmem:$0x4080] =	vst v63  }
0x11: {  	_ =	swait.ge [sflag:s4], $0x4000  }
0x12: {  	s9 =	sadd.s32 $0xFFFFFFFF, s31;
	[sflag:s4] =	ssyncset.done $0x0  }
.LBB2_1:
0x13: {  	p0 =	sne.s32 s9, $0x1;
	s9 =	sadd.s32 $0xFFFFFFFF, s9;
	[sflag:s4] =	ssyncadd.s32 $0xFFFFC000  }
0x14: {  	[tilespmem:s3], [sflag:$0x2] =	stream.linear.gather [hbm4b:s5+s3], $0x80, $0x38;
	[tilespmem:$0x4080] =	vst v63  }
0x15: {  	_ =	swait.ge [sflag:s4], $0x80  }
0x16: {  	[sflag:s4] =	ssyncset.done $0x0  }
0x17: {  	[sflag:s4] =	ssyncadd.s32 $0xFFFFFF80  }
0x18: {  	[tilespmem:s6], [sflag:$0x1] =	stream.indirect.gather [hbm4b:s1+s6], $0x80, s3, s6, $0xb8;
	[tilespmem:$0x4080] =	vst v63  }
0x19: {  	_ =	swait.ge [sflag:s7], $0x4000  }
.Ltmp1:
0x1a: {  	[sflag:s7] =	ssyncset.done $0x0;
	(pc) =	sbr.rel @p0 .LBB2_1-.Ltmp1, $4  }
0x1b: {  	[sflag:s7] =	ssyncadd.s32 $0xFFFFC000  }
0x1c: {  	[hbm4b:s8+s3] =	stream.linear.scatter [tilespmem:s6], [sflag:$0x2], $0x4000, $0x38;
	[tilespmem:$0x4080] =	vst v63  }
0x1d: {  	_ =	swait.ge [sflag:s4], $0x4000  }
0x1e: {  	[sflag:s4] =	ssyncset.done $0x0  }
.LBB2_2:
0x1f: {  	[sflag:s4] =	ssyncadd.s32 $0xFFFFC000  }
0x20: {  	_ =	sfence.sel $0x180000  }
0x21: {  	[bflag:$0x0] =	sbarrier.arrive $0xFFFF  }
0x22: {  	p0 =	sne.s32 s0, $0x0;
	_ =	strace $0x90000047  }
0x23: {  	s0 =	sadd.s32 @!p0 $0x100000, s2;
	[bflag:$0x2] =	sbarrier.arrive $0xFFFF  }
0x24: {  	[sflag:s0] =	ssyncadd.tile.s32 @!p0 $0x1;
	_ =	shalt  }
.Lfunc_end2:
_tile_overlayer_lowered:
.L_overlay_start_2:
0x25: {  	(tag) =	ssettag $0x2  }
0x26: {  	s0 =	rddreg [dreg:$0x0];
	s2 =	stileid.u32  }
0x27: {  	s1 =	rddreg [dreg:$0x1];
	p0 =	sne.s32 s2, $0x0  }
0x28: {  	s3 =	rddreg [dreg:$0x2];
	[bflag:$0x3] =	sbarrier.arrive $0xFFFF;
	s2 =	simm.s32 @!p0 $0x1C02  }
0x29: {  	[timem:s3], [sflag:s2] =	dma.local @!p0 [hbm:s0], s1  }
0x2a: {  	s0 =	simm.s32 @!p0 $0x2  }
0x2b: {  	_ =	swait.ge @!p0 [sflag:s0], s1  }
0x2c: {  	s1 =	ssub.s32 @!p0 $0x0, s1;
	[sflag:s0] =	ssyncset.done @!p0 $0x0  }
0x2d: {  	[sflag:s0] =	ssyncadd.s32 @!p0 s1  }
0x2e: {  	[bflag:$0x3] =	sbarrier.arrive $0xFFFF  }
0x2f: {  	_ =	shalt  }

</sc_bundles>
